<compile_context>
chip_gen: v7x
topology: tpu7x:2x2x1
jax: 0.10.2.dev20260603
libtpu: 0.0.44.dev20260713+nightly
codegen_flags: <defaults>
</compile_context>

<pallas_src>
import functools

import jax
import jax.numpy as jnp
from jax import lax
from jax.experimental import pallas as pl
from jax.experimental.pallas import tpu as pltpu
from jax.experimental.pallas import tpu_sc as plsc

N_NODE = 10000
D = 128
E_EDGES = 320000

NS = 16
SROWS = 624
LAST_BASE = SROWS * (NS - 1)
LAST_ROWS = N_NODE - LAST_BASE
CHUNK = 125
ROWS_PER_REL = E_EDGES // CHUNK
CHUNKS_PER_TILE = ROWS_PER_REL // NS
NI = 16
NBLK = CHUNKS_PER_TILE // NI
NITER = CHUNKS_PER_TILE // 2


@functools.partial(
    pl.kernel,
    mesh=plsc.VectorSubcoreMesh(core_axis_name="c", subcore_axis_name="s"),
    out_type=jax.ShapeDtypeStruct((2 * N_NODE, D), jnp.float32),
    scratch_types=[
        pltpu.VMEM((2, NI, CHUNK), jnp.int32),
        pltpu.VMEM((2, NI, CHUNK), jnp.int32),
        pltpu.VMEM((CHUNK, D), jnp.float32),
        pltpu.VMEM((CHUNK, D), jnp.float32),
        pltpu.VMEM_SHARED((N_NODE, D), jnp.float32),
        pltpu.SemaphoreType.DMA,
        pltpu.SemaphoreType.DMA,
        pltpu.SemaphoreType.DMA,
        pltpu.SemaphoreType.DMA,
        pltpu.SemaphoreType.DMA,
    ],
)
def _sc_agg(h_hbm, src_hbm, dst_hbm, base_hbm,
            out_hbm, sidx, didx, r0, r1, aggsh, g0, g1, s0, s1, isem):
    c = lax.axis_index("c")
    s = lax.axis_index("s")

    rowbase = s * SROWS

    @pl.when(s < NS - 1)
    def _():
        pltpu.sync_copy(base_hbm.at[pl.ds(c * N_NODE + s * SROWS, SROWS)],
                        aggsh.at[pl.ds(s * SROWS, SROWS)])

    @pl.when(s == NS - 1)
    def _():
        pltpu.sync_copy(base_hbm.at[pl.ds(c * N_NODE + LAST_BASE, LAST_ROWS)],
                        aggsh.at[pl.ds(LAST_BASE, LAST_ROWS)])

    plsc.subcore_barrier()

    tbase = c * ROWS_PER_REL + s * CHUNKS_PER_TILE

    def _load_block(b, slot, sem):
        pltpu.async_copy(src_hbm.at[pl.ds(tbase + NI * b, NI)], sidx.at[slot],
                         sem)
        pltpu.async_copy(dst_hbm.at[pl.ds(tbase + NI * b, NI)], didx.at[slot],
                         sem)

    def _wait_block(slot, sem):
        pltpu.make_async_copy(src_hbm.at[pl.ds(tbase, NI)], sidx.at[slot],
                              sem).wait()
        pltpu.make_async_copy(dst_hbm.at[pl.ds(tbase, NI)], didx.at[slot],
                              sem).wait()

    _load_block(0, 0, isem)
    _wait_block(0, isem)
    _load_block(1, 1, isem)

    pltpu.async_copy(h_hbm.at[sidx.at[0, 0]], r0, g0)
    pltpu.async_copy(h_hbm.at[sidx.at[0, 1]], r1, g1)

    def _steady(jj, carry):
        slot = (jj // 8) % 2
        row0 = 2 * (jj % 8)
        pltpu.make_async_copy(h_hbm.at[sidx.at[slot, row0]], r0, g0).wait()
        pltpu.async_copy(r0, aggsh.at[didx.at[slot, row0]], s0, add=True)
        pltpu.make_async_copy(h_hbm.at[sidx.at[slot, row0 + 1]], r1, g1).wait()
        pltpu.async_copy(r1, aggsh.at[didx.at[slot, row0 + 1]], s1, add=True)

        @pl.when(jj < NITER - 1)
        def _():
            @pl.when(jj % 8 == 7)
            def _():
                _wait_block(1 - slot, isem)

            nslot = ((jj + 1) // 8) % 2
            nrow0 = 2 * ((jj + 1) % 8)
            pltpu.make_async_copy(r0, aggsh.at[didx.at[slot, row0]], s0).wait()
            pltpu.async_copy(h_hbm.at[sidx.at[nslot, nrow0]], r0, g0)
            pltpu.make_async_copy(r1, aggsh.at[didx.at[slot, row0 + 1]],
                                  s1).wait()
            pltpu.async_copy(h_hbm.at[sidx.at[nslot, nrow0 + 1]], r1, g1)

            @pl.when(jnp.logical_and(jj % 8 == 7, jj < 8 * (NBLK - 2)))
            def _():
                _load_block(jj // 8 + 2, slot, isem)

        return carry

    lax.fori_loop(0, NITER, _steady, 0)
    pltpu.make_async_copy(r0, aggsh.at[didx.at[1, NI - 2]], s0).wait()
    pltpu.make_async_copy(r1, aggsh.at[didx.at[1, NI - 1]], s1).wait()
    plsc.subcore_barrier()

    @pl.when(s < NS - 1)
    def _():
        pltpu.sync_copy(aggsh.at[pl.ds(s * SROWS, SROWS)],
                        out_hbm.at[pl.ds(c * N_NODE + s * SROWS, SROWS)])

    @pl.when(s == NS - 1)
    def _():
        pltpu.sync_copy(aggsh.at[pl.ds(LAST_BASE, LAST_ROWS)],
                        out_hbm.at[pl.ds(c * N_NODE + LAST_BASE, LAST_ROWS)])


BLK = 1000


IBLK = ROWS_PER_REL // (N_NODE // BLK)


def _dense_body(x_u, x_i, wl_u2i, wr_u2i, b_u2i, wl_i2u, wr_i2u, b_i2u,
                s0_r, d0_r, s1_r, d1_r, h, base, sidx, didx):
    f32 = jnp.float32
    h[0] = jnp.dot(x_u[...], wl_u2i[...], preferred_element_type=f32)
    h[1] = jnp.dot(x_i[...], wl_i2u[...], preferred_element_type=f32)
    base[0] = (jnp.dot(x_i[...], wr_u2i[...], preferred_element_type=f32)
               + b_u2i[...])
    base[1] = (jnp.dot(x_u[...], wr_i2u[...], preferred_element_type=f32)
               + b_i2u[...])
    sidx[0] = s0_r[...]
    sidx[1] = s1_r[...] + N_NODE
    didx[0] = d0_r[...]
    didx[1] = d1_r[...]


def _dense_pre(x_user, x_item, WlT_u2i, WrT_u2i, b_u2i, WlT_i2u, WrT_i2u,
               b_i2u, s0, d0, s1, d1):
    row_spec = pl.BlockSpec((BLK, D), lambda i: (i, 0))
    pair_spec = pl.BlockSpec((2, BLK, D), lambda i: (0, i, 0))
    w_spec = pl.BlockSpec((D, D), lambda i: (0, 0))
    b_spec = pl.BlockSpec((1, D), lambda i: (0, 0))
    i_spec = pl.BlockSpec((IBLK, CHUNK), lambda i: (i, 0))
    ipair_spec = pl.BlockSpec((2, IBLK, CHUNK), lambda i: (0, i, 0))
    return pl.pallas_call(
        _dense_body,
        grid=(N_NODE // BLK,),
        in_specs=[row_spec, row_spec,
                  w_spec, w_spec, b_spec, w_spec, w_spec, b_spec,
                  i_spec, i_spec, i_spec, i_spec],
        out_specs=[pair_spec, pair_spec, ipair_spec, ipair_spec],
        out_shape=[jax.ShapeDtypeStruct((2, N_NODE, D), jnp.float32),
                   jax.ShapeDtypeStruct((2, N_NODE, D), jnp.float32),
                   jax.ShapeDtypeStruct((2, ROWS_PER_REL, CHUNK), jnp.int32),
                   jax.ShapeDtypeStruct((2, ROWS_PER_REL, CHUNK), jnp.int32)],
    )(x_user, x_item, WlT_u2i, WrT_u2i, b_u2i, WlT_i2u, WrT_i2u, b_i2u,
      s0, d0, s1, d1)


def kernel(x_user, x_item, edge_index_user_to_item, edge_index_item_to_user,
           W_l_u2i, b_l_u2i, W_r_u2i, W_l_i2u, b_l_i2u, W_r_i2u):
    h, base, src_all, dst_all = _dense_pre(
        x_user, x_item,
        W_l_u2i.T, W_r_u2i.T, b_l_u2i.reshape(1, D),
        W_l_i2u.T, W_r_i2u.T, b_l_i2u.reshape(1, D),
        edge_index_user_to_item[0].reshape(ROWS_PER_REL, CHUNK),
        edge_index_user_to_item[1].reshape(ROWS_PER_REL, CHUNK),
        edge_index_item_to_user[0].reshape(ROWS_PER_REL, CHUNK),
        edge_index_item_to_user[1].reshape(ROWS_PER_REL, CHUNK))
    h_flat = h.reshape(2 * N_NODE, D)
    base_flat = base.reshape(2 * N_NODE, D)

    out_flat = _sc_agg(h_flat,
                       src_all.reshape(2 * ROWS_PER_REL, CHUNK),
                       dst_all.reshape(2 * ROWS_PER_REL, CHUNK),
                       base_flat)
    return out_flat[N_NODE:], out_flat[:N_NODE]

# --- scband reference (transcript-rebuilt; emitter-appended) ---
"""Pipeline reference for scband-hetero-gnnlayer-223338299400 (READ-ONLY COPY).

The authoritative reference and input builder live on the scoring server;
editing this copy changes nothing except your own understanding.
"""

import jax, jax.numpy as jnp
import numpy as np

N_USER = 10000
N_ITEM = 10000
D_IN = 128
D_OUT = 128
E = 320000


def setup_inputs(seed: int = 0) -> dict:
    key = jax.random.key(seed)
    ks = jax.random.split(key, 10)
    x_user = jax.random.normal(ks[0], (N_USER, D_IN), dtype=jnp.float32)
    x_item = jax.random.normal(ks[1], (N_ITEM, D_IN), dtype=jnp.float32)
    edge_index_user_to_item = jax.random.randint(ks[2], (2, E), 0, N_ITEM, dtype=jnp.int32)
    edge_index_item_to_user = jax.random.randint(ks[3], (2, E), 0, N_USER, dtype=jnp.int32)
    s = 1.0 / np.sqrt(D_IN)
    # SAGEConv for relation (user -> item): lin_l (neighbor, with bias), lin_r (root, no bias)
    W_l_u2i = jax.random.uniform(ks[4], (D_OUT, D_IN), jnp.float32, -s, s)
    b_l_u2i = jnp.zeros((D_OUT,), jnp.float32)
    W_r_u2i = jax.random.uniform(ks[5], (D_OUT, D_IN), jnp.float32, -s, s)
    # SAGEConv for relation (item -> user)
    W_l_i2u = jax.random.uniform(ks[6], (D_OUT, D_IN), jnp.float32, -s, s)
    b_l_i2u = jnp.zeros((D_OUT,), jnp.float32)
    W_r_i2u = jax.random.uniform(ks[7], (D_OUT, D_IN), jnp.float32, -s, s)
    return {
        "x_user": x_user,
        "x_item": x_item,
        "edge_index_user_to_item": edge_index_user_to_item,
        "edge_index_item_to_user": edge_index_item_to_user,
        "W_l_u2i": W_l_u2i,
        "b_l_u2i": b_l_u2i,
        "W_r_u2i": W_r_u2i,
        "W_l_i2u": W_l_i2u,
        "b_l_i2u": b_l_i2u,
        "W_r_i2u": W_r_i2u,
    }


def _sage_conv(x_src, x_dst, edge_index, W_l, b_l, W_r, num_dst):
    # PyG SAGEConv with aggr='sum', bipartite (x_src, x_dst), add_self_loops=False:
    #   out = lin_l(sum_{j in N(i)} x_src[j]) + lin_r(x_dst[i])
    src = edge_index[0]
    dst = edge_index[1]
    msgs = jnp.take(x_src, src, axis=0)          # gather (SparseCore)
    agg = jax.ops.segment_sum(msgs, dst, num_segments=num_dst)  # scatter-add
    return agg @ W_l.T + b_l + x_dst @ W_r.T


def reference(x_user, x_item, edge_index_user_to_item, edge_index_item_to_user,
              W_l_u2i, b_l_u2i, W_r_u2i, W_l_i2u, b_l_i2u, W_r_i2u):
    # HeteroConv(aggr='sum'): each node type receives exactly one relation here,
    # so the cross-relation sum is trivial.
    out_item = _sage_conv(x_user, x_item, edge_index_user_to_item,
                          W_l_u2i, b_l_u2i, W_r_u2i, N_ITEM)
    out_user = _sage_conv(x_item, x_user, edge_index_item_to_user,
                          W_l_i2u, b_l_i2u, W_r_i2u, N_USER)
    # batch_norm=False -> no NodeApplied norm
    return (out_user, out_item)

if __name__ == "__main__":
    import jax
    _d = setup_inputs()
    print(jax.jit(kernel)(*tuple(_d.values())))

</pallas_src>

<mosaic_0001>
#map = affine_map<(d0, d1) -> (0, 0)>
module attributes {stable_mosaic.version = 14 : i64} {
  func.func @_sc_agg(%arg0: i32, %arg1: i32, %arg2: memref<20000x128xf32, #tpu.memory_space<hbm>>, %arg3: memref<5120x125xi32, #tpu.memory_space<hbm>>, %arg4: memref<5120x125xi32, #tpu.memory_space<hbm>>, %arg5: memref<20000x128xf32, #tpu.memory_space<hbm>>, %arg6: memref<20000x128xf32, #tpu.memory_space<hbm>>, %arg7: memref<2x16x125xi32, #tpu.memory_space<vmem>>, %arg8: memref<2x16x125xi32, #tpu.memory_space<vmem>>, %arg9: memref<125x128xf32, #tpu.memory_space<vmem>>, %arg10: memref<125x128xf32, #tpu.memory_space<vmem>>, %arg11: memref<10000x128xf32, #tpu.memory_space<vmem_shared>>, %arg12: memref<!tpu.dma_semaphore, #tpu.memory_space<semaphore_mem>>, %arg13: memref<!tpu.dma_semaphore, #tpu.memory_space<semaphore_mem>>, %arg14: memref<!tpu.dma_semaphore, #tpu.memory_space<semaphore_mem>>, %arg15: memref<!tpu.dma_semaphore, #tpu.memory_space<semaphore_mem>>, %arg16: memref<!tpu.dma_semaphore, #tpu.memory_space<semaphore_mem>>) attributes {dimension_semantics = [#tpu.dimension_semantics<core_parallel>, #tpu.dimension_semantics<subcore_parallel>], iteration_bounds = array<i64: 2, 16>, scalar_prefetch = 0 : i64, scratch_operands = 10 : i64, tpu.core_type = #tpu.core_type<sc_vector_subcore>, window_params = [{transform_indices = #map}, {transform_indices = #map}, {transform_indices = #map}, {transform_indices = #map}, {transform_indices = #map}]} {
    %mul3A = arith.constant 624 : i32
    %mul3A_0 = arith.muli %arg1, %mul3A : i32
    %lt3A = arith.constant 15 : i32
    %lt3A_1 = arith.cmpi slt, %arg1, %lt3A : i32
    %convert_element_type3A = arith.extui %lt3A_1 : i1 to i32
    %cond3A = arith.constant 0 : i32
    %cond3A_2 = arith.cmpi ne, %convert_element_type3A, %cond3A : i32
    scf.if %cond3A_2 {
      %mul3A_143 = arith.constant 10000 : i32
      %mul3A_144 = arith.muli %arg0, %mul3A_143 : i32
      %mul3A_145 = arith.constant 624 : i32
      %mul3A_146 = arith.muli %arg1, %mul3A_145 : i32
      %add3A_147 = arith.addi %mul3A_144, %mul3A_146 : i32
      %mul3A_148 = arith.constant 624 : i32
      %mul3A_149 = arith.muli %arg1, %mul3A_148 : i32
      "tpu.region"() ({
        %run_scoped3A = tpu.sem_alloc : memref<!tpu.dma_semaphore, #tpu.memory_space<semaphore_mem>>
        %dma_start3A_150 = arith.constant 0 : i32
        %dma_start3A_151 = tpu.memref_slice %arg11[%mul3A_149, %dma_start3A_150] : memref<10000x128xf32, #tpu.memory_space<vmem_shared>> -> memref<624x128xf32, #tpu.memory_space<vmem_shared>>
        %dma_start3A_152 = arith.constant 0 : i32
        %dma_start3A_153 = tpu.memref_slice %arg5[%add3A_147, %dma_start3A_152] : memref<20000x128xf32, #tpu.memory_space<hbm>> -> memref<624x128xf32, #tpu.memory_space<hbm>>
        tpu.enqueue_dma source(%dma_start3A_153 : memref<624x128xf32, #tpu.memory_space<hbm>>) target(%dma_start3A_151 : memref<624x128xf32, #tpu.memory_space<vmem_shared>>) target_semaphore(%run_scoped3A : memref<!tpu.dma_semaphore, #tpu.memory_space<semaphore_mem>>)
        %dma_wait3A_154 = arith.constant 0 : i32
        %dma_wait3A_155 = tpu.memref_slice %arg11[%mul3A_149, %dma_wait3A_154] : memref<10000x128xf32, #tpu.memory_space<vmem_shared>> -> memref<624x128xf32, #tpu.memory_space<vmem_shared>>
        %dma_wait3A_156 = arith.constant 0 : i32
        %dma_wait3A_157 = tpu.memref_slice %arg5[%add3A_147, %dma_wait3A_156] : memref<20000x128xf32, #tpu.memory_space<hbm>> -> memref<624x128xf32, #tpu.memory_space<hbm>>
        tpu.wait_dma2 semaphore(%run_scoped3A : memref<!tpu.dma_semaphore, #tpu.memory_space<semaphore_mem>>) src(%dma_wait3A_157 : memref<624x128xf32, #tpu.memory_space<hbm>>) dst(%dma_wait3A_155 : memref<624x128xf32, #tpu.memory_space<vmem_shared>>)
        tpu.yield
      }) : () -> ()
    } else {
    }
    %eq3A = arith.constant 15 : i32
    %eq3A_3 = arith.cmpi eq, %arg1, %eq3A : i32
    %convert_element_type3A_4 = arith.extui %eq3A_3 : i1 to i32
    %cond3A_5 = arith.constant 0 : i32
    %cond3A_6 = arith.cmpi ne, %convert_element_type3A_4, %cond3A_5 : i32
    scf.if %cond3A_6 {
      %mul3A_143 = arith.constant 10000 : i32
      %mul3A_144 = arith.muli %arg0, %mul3A_143 : i32
      %add3A_145 = arith.constant 9360 : i32
      %add3A_146 = arith.addi %mul3A_144, %add3A_145 : i32
      "tpu.region"() ({
        %run_scoped3A = tpu.sem_alloc : memref<!tpu.dma_semaphore, #tpu.memory_space<semaphore_mem>>
        %dma_start3A_147 = arith.constant 9360 : i32
        %dma_start3A_148 = arith.constant 0 : i32
        %dma_start3A_149 = tpu.memref_slice %arg11[%dma_start3A_147, %dma_start3A_148] : memref<10000x128xf32, #tpu.memory_space<vmem_shared>> -> memref<640x128xf32, #tpu.memory_space<vmem_shared>>
        %dma_start3A_150 = arith.constant 0 : i32
        %dma_start3A_151 = tpu.memref_slice %arg5[%add3A_146, %dma_start3A_150] : memref<20000x128xf32, #tpu.memory_space<hbm>> -> memref<640x128xf32, #tpu.memory_space<hbm>>
        tpu.enqueue_dma source(%dma_start3A_151 : memref<640x128xf32, #tpu.memory_space<hbm>>) target(%dma_start3A_149 : memref<640x128xf32, #tpu.memory_space<vmem_shared>>) target_semaphore(%run_scoped3A : memref<!tpu.dma_semaphore, #tpu.memory_space<semaphore_mem>>)
        %dma_wait3A_152 = arith.constant 9360 : i32
        %dma_wait3A_153 = arith.constant 0 : i32
        %dma_wait3A_154 = tpu.memref_slice %arg11[%dma_wait3A_152, %dma_wait3A_153] : memref<10000x128xf32, #tpu.memory_space<vmem_shared>> -> memref<640x128xf32, #tpu.memory_space<vmem_shared>>
        %dma_wait3A_155 = arith.constant 0 : i32
        %dma_wait3A_156 = tpu.memref_slice %arg5[%add3A_146, %dma_wait3A_155] : memref<20000x128xf32, #tpu.memory_space<hbm>> -> memref<640x128xf32, #tpu.memory_space<hbm>>
        tpu.wait_dma2 semaphore(%run_scoped3A : memref<!tpu.dma_semaphore, #tpu.memory_space<semaphore_mem>>) src(%dma_wait3A_156 : memref<640x128xf32, #tpu.memory_space<hbm>>) dst(%dma_wait3A_154 : memref<640x128xf32, #tpu.memory_space<vmem_shared>>)
        tpu.yield
      }) : () -> ()
    } else {
    }
    %barrier3A = arith.constant 0 : index
    tpu.barrier barrier_id(%barrier3A)
    %mul3A_7 = arith.constant 2560 : i32
    %mul3A_8 = arith.muli %arg0, %mul3A_7 : i32
    %mul3A_9 = arith.constant 160 : i32
    %mul3A_10 = arith.muli %arg1, %mul3A_9 : i32
    %add3A = arith.addi %mul3A_8, %mul3A_10 : i32
    %add3A_11 = arith.constant 0 : i32
    %add3A_12 = arith.addi %add3A, %add3A_11 : i32
    %dma_start3A = arith.constant 0 : i32
    %dma_start3A_13 = arith.constant 0 : i32
    %dma_start3A_14 = arith.constant 0 : i32
    %dma_start3A_15 = tpu.memref_slice %arg7[%dma_start3A, %dma_start3A_13, %dma_start3A_14] : memref<2x16x125xi32, #tpu.memory_space<vmem>> -> memref<1x16x125xi32, #tpu.memory_space<vmem>>
    %dma_start3A_16 = tpu.memref_squeeze %dma_start3A_15 : memref<1x16x125xi32, #tpu.memory_space<vmem>> -> memref<16x125xi32, #tpu.memory_space<vmem>>
    %dma_start3A_17 = arith.constant 0 : i32
    %dma_start3A_18 = tpu.memref_slice %arg3[%add3A_12, %dma_start3A_17] : memref<5120x125xi32, #tpu.memory_space<hbm>> -> memref<16x125xi32, #tpu.memory_space<hbm>>
    %dma_start3A_19 = arith.constant 0 : i32
    %dma_start3A_20 = arith.constant 0 : i32
    %dma_start3A_21 = tpu.memref_slice %arg7[%dma_start3A, %dma_start3A_19, %dma_start3A_20] : memref<2x16x125xi32, #tpu.memory_space<vmem>> -> memref<1x16x125xi32, #tpu.memory_space<vmem>>
    %dma_start3A_22 = tpu.memref_squeeze %dma_start3A_21 : memref<1x16x125xi32, #tpu.memory_space<vmem>> -> memref<16x125xi32, #tpu.memory_space<vmem>>
    %dma_start3A_23 = arith.constant 0 : i32
    %dma_start3A_24 = tpu.memref_slice %arg3[%add3A_12, %dma_start3A_23] : memref<5120x125xi32, #tpu.memory_space<hbm>> -> memref<16x125xi32, #tpu.memory_space<hbm>>
    tpu.enqueue_dma source(%dma_start3A_24 : memref<16x125xi32, #tpu.memory_space<hbm>>) target(%dma_start3A_22 : memref<16x125xi32, #tpu.memory_space<vmem>>) target_semaphore(%arg16 : memref<!tpu.dma_semaphore, #tpu.memory_space<semaphore_mem>>)
    %add3A_25 = arith.constant 0 : i32
    %add3A_26 = arith.addi %add3A, %add3A_25 : i32
    %dma_start3A_27 = arith.constant 0 : i32
    %dma_start3A_28 = arith.constant 0 : i32
    %dma_start3A_29 = arith.constant 0 : i32
    %dma_start3A_30 = tpu.memref_slice %arg8[%dma_start3A_27, %dma_start3A_28, %dma_start3A_29] : memref<2x16x125xi32, #tpu.memory_space<vmem>> -> memref<1x16x125xi32, #tpu.memory_space<vmem>>
    %dma_start3A_31 = tpu.memref_squeeze %dma_start3A_30 : memref<1x16x125xi32, #tpu.memory_space<vmem>> -> memref<16x125xi32, #tpu.memory_space<vmem>>
    %dma_start3A_32 = arith.constant 0 : i32
    %dma_start3A_33 = tpu.memref_slice %arg4[%add3A_26, %dma_start3A_32] : memref<5120x125xi32, #tpu.memory_space<hbm>> -> memref<16x125xi32, #tpu.memory_space<hbm>>
    %dma_start3A_34 = arith.constant 0 : i32
    %dma_start3A_35 = arith.constant 0 : i32
    %dma_start3A_36 = tpu.memref_slice %arg8[%dma_start3A_27, %dma_start3A_34, %dma_start3A_35] : memref<2x16x125xi32, #tpu.memory_space<vmem>> -> memref<1x16x125xi32, #tpu.memory_space<vmem>>
    %dma_start3A_37 = tpu.memref_squeeze %dma_start3A_36 : memref<1x16x125xi32, #tpu.memory_space<vmem>> -> memref<16x125xi32, #tpu.memory_space<vmem>>
    %dma_start3A_38 = arith.constant 0 : i32
    %dma_start3A_39 = tpu.memref_slice %arg4[%add3A_26, %dma_start3A_38] : memref<5120x125xi32, #tpu.memory_space<hbm>> -> memref<16x125xi32, #tpu.memory_space<hbm>>
    tpu.enqueue_dma source(%dma_start3A_39 : memref<16x125xi32, #tpu.memory_space<hbm>>) target(%dma_start3A_37 : memref<16x125xi32, #tpu.memory_space<vmem>>) target_semaphore(%arg16 : memref<!tpu.dma_semaphore, #tpu.memory_space<semaphore_mem>>)
    %dma_wait3A = arith.constant 0 : i32
    %dma_wait3A_40 = arith.constant 0 : i32
    %dma_wait3A_41 = arith.constant 0 : i32
    %dma_wait3A_42 = tpu.memref_slice %arg7[%dma_wait3A, %dma_wait3A_40, %dma_wait3A_41] : memref<2x16x125xi32, #tpu.memory_space<vmem>> -> memref<1x16x125xi32, #tpu.memory_space<vmem>>
    %dma_wait3A_43 = tpu.memref_squeeze %dma_wait3A_42 : memref<1x16x125xi32, #tpu.memory_space<vmem>> -> memref<16x125xi32, #tpu.memory_space<vmem>>
    %dma_wait3A_44 = arith.constant 0 : i32
    %dma_wait3A_45 = tpu.memref_slice %arg3[%add3A, %dma_wait3A_44] : memref<5120x125xi32, #tpu.memory_space<hbm>> -> memref<16x125xi32, #tpu.memory_space<hbm>>
    %dma_wait3A_46 = arith.constant 0 : i32
    %dma_wait3A_47 = arith.constant 0 : i32
    %dma_wait3A_48 = tpu.memref_slice %arg7[%dma_wait3A, %dma_wait3A_46, %dma_wait3A_47] : memref<2x16x125xi32, #tpu.memory_space<vmem>> -> memref<1x16x125xi32, #tpu.memory_space<vmem>>
    %dma_wait3A_49 = tpu.memref_squeeze %dma_wait3A_48 : memref<1x16x125xi32, #tpu.memory_space<vmem>> -> memref<16x125xi32, #tpu.memory_space<vmem>>
    %dma_wait3A_50 = arith.constant 0 : i32
    %dma_wait3A_51 = tpu.memref_slice %arg3[%add3A, %dma_wait3A_50] : memref<5120x125xi32, #tpu.memory_space<hbm>> -> memref<16x125xi32, #tpu.memory_space<hbm>>
    tpu.wait_dma2 semaphore(%arg16 : memref<!tpu.dma_semaphore, #tpu.memory_space<semaphore_mem>>) src(%dma_wait3A_51 : memref<16x125xi32, #tpu.memory_space<hbm>>) dst(%dma_wait3A_49 : memref<16x125xi32, #tpu.memory_space<vmem>>)
    %dma_wait3A_52 = arith.constant 0 : i32
    %dma_wait3A_53 = arith.constant 0 : i32
    %dma_wait3A_54 = arith.constant 0 : i32
    %dma_wait3A_55 = tpu.memref_slice %arg8[%dma_wait3A_52, %dma_wait3A_53, %dma_wait3A_54] : memref<2x16x125xi32, #tpu.memory_space<vmem>> -> memref<1x16x125xi32, #tpu.memory_space<vmem>>
    %dma_wait3A_56 = tpu.memref_squeeze %dma_wait3A_55 : memref<1x16x125xi32, #tpu.memory_space<vmem>> -> memref<16x125xi32, #tpu.memory_space<vmem>>
    %dma_wait3A_57 = arith.constant 0 : i32
    %dma_wait3A_58 = tpu.memref_slice %arg4[%add3A, %dma_wait3A_57] : memref<5120x125xi32, #tpu.memory_space<hbm>> -> memref<16x125xi32, #tpu.memory_space<hbm>>
    %dma_wait3A_59 = arith.constant 0 : i32
    %dma_wait3A_60 = arith.constant 0 : i32
    %dma_wait3A_61 = tpu.memref_slice %arg8[%dma_wait3A_52, %dma_wait3A_59, %dma_wait3A_60] : memref<2x16x125xi32, #tpu.memory_space<vmem>> -> memref<1x16x125xi32, #tpu.memory_space<vmem>>
    %dma_wait3A_62 = tpu.memref_squeeze %dma_wait3A_61 : memref<1x16x125xi32, #tpu.memory_space<vmem>> -> memref<16x125xi32, #tpu.memory_space<vmem>>
    %dma_wait3A_63 = arith.constant 0 : i32
    %dma_wait3A_64 = tpu.memref_slice %arg4[%add3A, %dma_wait3A_63] : memref<5120x125xi32, #tpu.memory_space<hbm>> -> memref<16x125xi32, #tpu.memory_space<hbm>>
    tpu.wait_dma2 semaphore(%arg16 : memref<!tpu.dma_semaphore, #tpu.memory_space<semaphore_mem>>) src(%dma_wait3A_64 : memref<16x125xi32, #tpu.memory_space<hbm>>) dst(%dma_wait3A_62 : memref<16x125xi32, #tpu.memory_space<vmem>>)
    %add3A_65 = arith.constant 16 : i32
    %add3A_66 = arith.addi %add3A, %add3A_65 : i32
    %dma_start3A_67 = arith.constant 1 : i32
    %dma_start3A_68 = arith.constant 0 : i32
    %dma_start3A_69 = arith.constant 0 : i32
    %dma_start3A_70 = tpu.memref_slice %arg7[%dma_start3A_67, %dma_start3A_68, %dma_start3A_69] : memref<2x16x125xi32, #tpu.memory_space<vmem>> -> memref<1x16x125xi32, #tpu.memory_space<vmem>>
    %dma_start3A_71 = tpu.memref_squeeze %dma_start3A_70 : memref<1x16x125xi32, #tpu.memory_space<vmem>> -> memref<16x125xi32, #tpu.memory_space<vmem>>
    %dma_start3A_72 = arith.constant 0 : i32
    %dma_start3A_73 = tpu.memref_slice %arg3[%add3A_66, %dma_start3A_72] : memref<5120x125xi32, #tpu.memory_space<hbm>> -> memref<16x125xi32, #tpu.memory_space<hbm>>
    %dma_start3A_74 = arith.constant 0 : i32
    %dma_start3A_75 = arith.constant 0 : i32
    %dma_start3A_76 = tpu.memref_slice %arg7[%dma_start3A_67, %dma_start3A_74, %dma_start3A_75] : memref<2x16x125xi32, #tpu.memory_space<vmem>> -> memref<1x16x125xi32, #tpu.memory_space<vmem>>
    %dma_start3A_77 = tpu.memref_squeeze %dma_start3A_76 : memref<1x16x125xi32, #tpu.memory_space<vmem>> -> memref<16x125xi32, #tpu.memory_space<vmem>>
    %dma_start3A_78 = arith.constant 0 : i32
    %dma_start3A_79 = tpu.memref_slice %arg3[%add3A_66, %dma_start3A_78] : memref<5120x125xi32, #tpu.memory_space<hbm>> -> memref<16x125xi32, #tpu.memory_space<hbm>>
    tpu.enqueue_dma source(%dma_start3A_79 : memref<16x125xi32, #tpu.memory_space<hbm>>) target(%dma_start3A_77 : memref<16x125xi32, #tpu.memory_space<vmem>>) target_semaphore(%arg16 : memref<!tpu.dma_semaphore, #tpu.memory_space<semaphore_mem>>)
    %add3A_80 = arith.constant 16 : i32
    %add3A_81 = arith.addi %add3A, %add3A_80 : i32
    %dma_start3A_82 = arith.constant 1 : i32
    %dma_start3A_83 = arith.constant 0 : i32
    %dma_start3A_84 = arith.constant 0 : i32
    %dma_start3A_85 = tpu.memref_slice %arg8[%dma_start3A_82, %dma_start3A_83, %dma_start3A_84] : memref<2x16x125xi32, #tpu.memory_space<vmem>> -> memref<1x16x125xi32, #tpu.memory_space<vmem>>
    %dma_start3A_86 = tpu.memref_squeeze %dma_start3A_85 : memref<1x16x125xi32, #tpu.memory_space<vmem>> -> memref<16x125xi32, #tpu.memory_space<vmem>>
    %dma_start3A_87 = arith.constant 0 : i32
    %dma_start3A_88 = tpu.memref_slice %arg4[%add3A_81, %dma_start3A_87] : memref<5120x125xi32, #tpu.memory_space<hbm>> -> memref<16x125xi32, #tpu.memory_space<hbm>>
    %dma_start3A_89 = arith.constant 0 : i32
    %dma_start3A_90 = arith.constant 0 : i32
    %dma_start3A_91 = tpu.memref_slice %arg8[%dma_start3A_82, %dma_start3A_89, %dma_start3A_90] : memref<2x16x125xi32, #tpu.memory_space<vmem>> -> memref<1x16x125xi32, #tpu.memory_space<vmem>>
    %dma_start3A_92 = tpu.memref_squeeze %dma_start3A_91 : memref<1x16x125xi32, #tpu.memory_space<vmem>> -> memref<16x125xi32, #tpu.memory_space<vmem>>
    %dma_start3A_93 = arith.constant 0 : i32
    %dma_start3A_94 = tpu.memref_slice %arg4[%add3A_81, %dma_start3A_93] : memref<5120x125xi32, #tpu.memory_space<hbm>> -> memref<16x125xi32, #tpu.memory_space<hbm>>
    tpu.enqueue_dma source(%dma_start3A_94 : memref<16x125xi32, #tpu.memory_space<hbm>>) target(%dma_start3A_92 : memref<16x125xi32, #tpu.memory_space<vmem>>) target_semaphore(%arg16 : memref<!tpu.dma_semaphore, #tpu.memory_space<semaphore_mem>>)
    %dma_start3A_95 = arith.constant 0 : i32
    %dma_start3A_96 = arith.constant 0 : i32
    %dma_start3A_97 = arith.constant 0 : i32
    %dma_start3A_98 = tpu.memref_slice %arg7[%dma_start3A_95, %dma_start3A_96, %dma_start3A_97] : memref<2x16x125xi32, #tpu.memory_space<vmem>> -> memref<1x1x125xi32, #tpu.memory_space<vmem>>
    %dma_start3A_99 = tpu.memref_squeeze %dma_start3A_98 : memref<1x1x125xi32, #tpu.memory_space<vmem>> -> memref<125xi32, #tpu.memory_space<vmem>>
    %dma_start3A_100 = arith.constant 0 : i32
    %dma_start3A_101 = arith.constant 0 : i32
    %dma_start3A_102 = tpu.memref_slice %arg2[%dma_start3A_100, %dma_start3A_101] : memref<20000x128xf32, #tpu.memory_space<hbm>> -> memref<20000x128xf32, #tpu.memory_space<hbm>>
    tpu.enqueue_indirect_dma source(%dma_start3A_102 : memref<20000x128xf32, #tpu.memory_space<hbm>>) target(%arg9 : memref<125x128xf32, #tpu.memory_space<vmem>>) offsets(%dma_start3A_99 : memref<125xi32, #tpu.memory_space<vmem>>) semaphore(%arg12 : memref<!tpu.dma_semaphore, #tpu.memory_space<semaphore_mem>>)
    %dma_start3A_103 = arith.constant 0 : i32
    %dma_start3A_104 = arith.constant 1 : i32
    %dma_start3A_105 = arith.constant 0 : i32
    %dma_start3A_106 = tpu.memref_slice %arg7[%dma_start3A_103, %dma_start3A_104, %dma_start3A_105] : memref<2x16x125xi32, #tpu.memory_space<vmem>> -> memref<1x1x125xi32, #tpu.memory_space<vmem>>
    %dma_start3A_107 = tpu.memref_squeeze %dma_start3A_106 : memref<1x1x125xi32, #tpu.memory_space<vmem>> -> memref<125xi32, #tpu.memory_space<vmem>>
    %dma_start3A_108 = arith.constant 0 : i32
    %dma_start3A_109 = arith.constant 0 : i32
    %dma_start3A_110 = tpu.memref_slice %arg2[%dma_start3A_108, %dma_start3A_109] : memref<20000x128xf32, #tpu.memory_space<hbm>> -> memref<20000x128xf32, #tpu.memory_space<hbm>>
    tpu.enqueue_indirect_dma source(%dma_start3A_110 : memref<20000x128xf32, #tpu.memory_space<hbm>>) target(%arg10 : memref<125x128xf32, #tpu.memory_space<vmem>>) offsets(%dma_start3A_107 : memref<125xi32, #tpu.memory_space<vmem>>) semaphore(%arg13 : memref<!tpu.dma_semaphore, #tpu.memory_space<semaphore_mem>>)
    %scan3A = arith.constant 0 : i32
    %scan3A_111 = arith.constant 0 : i32
    %scan3A_112 = arith.constant 80 : i32
    %scan3A_113 = arith.addi %scan3A_111, %scan3A_112 : i32
    %scan3A_114 = arith.constant 1 : i32
    scf.for %scan3A_143 = %scan3A_111 to %scan3A_113 step %scan3A_114  : i32 {
      %jit3A = arith.constant 8 : i32
      %div3A = arith.divsi %scan3A_143, %jit3A : i32
      %sign3A = arith.constant 0 : i32
      %sign3A_144 = arith.cmpi sgt, %scan3A_143, %sign3A : i32
      %sign3A_145 = arith.extui %sign3A_144 : i1 to i32
      %sign3A_146 = arith.constant 0 : i32
      %sign3A_147 = arith.cmpi slt, %scan3A_143, %sign3A_146 : i32
      %sign3A_148 = arith.extui %sign3A_147 : i1 to i32
      %sign3A_149 = arith.subi %sign3A_145, %sign3A_148 : i32
      %sign3A_150 = arith.constant 0 : i32
      %sign3A_151 = arith.cmpi sgt, %jit3A, %sign3A_150 : i32
      %sign3A_152 = arith.extui %sign3A_151 : i1 to i32
      %sign3A_153 = arith.constant 0 : i32
      %sign3A_154 = arith.cmpi slt, %jit3A, %sign3A_153 : i32
      %sign3A_155 = arith.extui %sign3A_154 : i1 to i32
      %sign3A_156 = arith.subi %sign3A_152, %sign3A_155 : i32
      %ne3A = arith.cmpi ne, %sign3A_149, %sign3A_156 : i32
      %rem3A = arith.remsi %scan3A_143, %jit3A : i32
      %ne3A_157 = arith.constant 0 : i32
      %ne3A_158 = arith.cmpi ne, %rem3A, %ne3A_157 : i32
      %and3A = arith.andi %ne3A, %ne3A_158 : i1
      %sub3A = arith.constant 1 : i32
      %sub3A_159 = arith.subi %div3A, %sub3A : i32
      %select_n3A = arith.select %and3A, %sub3A_159, %div3A : i32
      %jit3A_160 = arith.constant 2 : i32
      %eq3A_161 = arith.constant 0 : i32
      %eq3A_162 = arith.cmpi eq, %jit3A_160, %eq3A_161 : i32
      %jit3A_163 = arith.constant 1 : i32
      %select_n3A_164 = arith.select %eq3A_162, %jit3A_163, %jit3A_160 : i32
      %rem3A_165 = arith.remsi %select_n3A, %select_n3A_164 : i32
      %ne3A_166 = arith.constant 0 : i32
      %ne3A_167 = arith.cmpi ne, %rem3A_165, %ne3A_166 : i32
      %lt3A_168 = arith.constant 0 : i32
      %lt3A_169 = arith.cmpi slt, %rem3A_165, %lt3A_168 : i32
      %lt3A_170 = arith.constant 0 : i32
      %lt3A_171 = arith.cmpi slt, %select_n3A_164, %lt3A_170 : i32
      %ne3A_172 = arith.xori %lt3A_169, %lt3A_171 : i1
      %and3A_173 = arith.andi %ne3A_172, %ne3A_167 : i1
      %add3A_174 = arith.addi %rem3A_165, %select_n3A_164 : i32
      %select_n3A_175 = arith.select %and3A_173, %add3A_174, %rem3A_165 : i32
      %jit3A_176 = arith.constant 8 : i32
      %eq3A_177 = arith.constant 0 : i32
      %eq3A_178 = arith.cmpi eq, %jit3A_176, %eq3A_177 : i32
      %jit3A_179 = arith.constant 1 : i32
      %select_n3A_180 = arith.select %eq3A_178, %jit3A_179, %jit3A_176 : i32
      %rem3A_181 = arith.remsi %scan3A_143, %select_n3A_180 : i32
      %ne3A_182 = arith.constant 0 : i32
      %ne3A_183 = arith.cmpi ne, %rem3A_181, %ne3A_182 : i32
      %lt3A_184 = arith.constant 0 : i32
      %lt3A_185 = arith.cmpi slt, %rem3A_181, %lt3A_184 : i32
      %lt3A_186 = arith.constant 0 : i32
      %lt3A_187 = arith.cmpi slt, %select_n3A_180, %lt3A_186 : i32
      %ne3A_188 = arith.xori %lt3A_185, %lt3A_187 : i1
      %and3A_189 = arith.andi %ne3A_188, %ne3A_183 : i1
      %add3A_190 = arith.addi %rem3A_181, %select_n3A_180 : i32
      %select_n3A_191 = arith.select %and3A_189, %add3A_190, %rem3A_181 : i32
      %mul3A_192 = arith.constant 2 : i32
      %mul3A_193 = arith.muli %mul3A_192, %select_n3A_191 : i32
      %dma_wait3A_194 = arith.constant 0 : i32
      %dma_wait3A_195 = tpu.memref_slice %arg7[%select_n3A_175, %mul3A_193, %dma_wait3A_194] : memref<2x16x125xi32, #tpu.memory_space<vmem>> -> memref<1x1x125xi32, #tpu.memory_space<vmem>>
      %dma_wait3A_196 = tpu.memref_squeeze %dma_wait3A_195 : memref<1x1x125xi32, #tpu.memory_space<vmem>> -> memref<125xi32, #tpu.memory_space<vmem>>
      %dma_wait3A_197 = arith.constant 0 : i32
      %dma_wait3A_198 = arith.constant 0 : i32
      %dma_wait3A_199 = tpu.memref_slice %arg2[%dma_wait3A_197, %dma_wait3A_198] : memref<20000x128xf32, #tpu.memory_space<hbm>> -> memref<20000x128xf32, #tpu.memory_space<hbm>>
      tpu.wait_indirect_dma semaphore(%arg12 : memref<!tpu.dma_semaphore, #tpu.memory_space<semaphore_mem>>) src(%dma_wait3A_199 : memref<20000x128xf32, #tpu.memory_space<hbm>>) dst(%arg9 : memref<125x128xf32, #tpu.memory_space<vmem>>)
      %dma_start3A_200 = arith.constant 0 : i32
      %dma_start3A_201 = tpu.memref_slice %arg8[%select_n3A_175, %mul3A_193, %dma_start3A_200] : memref<2x16x125xi32, #tpu.memory_space<vmem>> -> memref<1x1x125xi32, #tpu.memory_space<vmem>>
      %dma_start3A_202 = tpu.memref_squeeze %dma_start3A_201 : memref<1x1x125xi32, #tpu.memory_space<vmem>> -> memref<125xi32, #tpu.memory_space<vmem>>
      %dma_start3A_203 = arith.constant 0 : i32
      %dma_start3A_204 = arith.constant 0 : i32
      %dma_start3A_205 = tpu.memref_slice %arg11[%dma_start3A_203, %dma_start3A_204] : memref<10000x128xf32, #tpu.memory_space<vmem_shared>> -> memref<10000x128xf32, #tpu.memory_space<vmem_shared>>
      tpu.enqueue_indirect_dma source(%arg9 : memref<125x128xf32, #tpu.memory_space<vmem>>) target(%dma_start3A_205 : memref<10000x128xf32, #tpu.memory_space<vmem_shared>>) offsets(%dma_start3A_202 : memref<125xi32, #tpu.memory_space<vmem>>) semaphore(%arg14 : memref<!tpu.dma_semaphore, #tpu.memory_space<semaphore_mem>>) {add = true}
      %add3A_206 = arith.constant 1 : i32
      %add3A_207 = arith.addi %mul3A_193, %add3A_206 : i32
      %dma_wait3A_208 = arith.constant 0 : i32
      %dma_wait3A_209 = tpu.memref_slice %arg7[%select_n3A_175, %add3A_207, %dma_wait3A_208] : memref<2x16x125xi32, #tpu.memory_space<vmem>> -> memref<1x1x125xi32, #tpu.memory_space<vmem>>
      %dma_wait3A_210 = tpu.memref_squeeze %dma_wait3A_209 : memref<1x1x125xi32, #tpu.memory_space<vmem>> -> memref<125xi32, #tpu.memory_space<vmem>>
      %dma_wait3A_211 = arith.constant 0 : i32
      %dma_wait3A_212 = arith.constant 0 : i32
      %dma_wait3A_213 = tpu.memref_slice %arg2[%dma_wait3A_211, %dma_wait3A_212] : memref<20000x128xf32, #tpu.memory_space<hbm>> -> memref<20000x128xf32, #tpu.memory_space<hbm>>
      tpu.wait_indirect_dma semaphore(%arg13 : memref<!tpu.dma_semaphore, #tpu.memory_space<semaphore_mem>>) src(%dma_wait3A_213 : memref<20000x128xf32, #tpu.memory_space<hbm>>) dst(%arg10 : memref<125x128xf32, #tpu.memory_space<vmem>>)
      %add3A_214 = arith.constant 1 : i32
      %add3A_215 = arith.addi %mul3A_193, %add3A_214 : i32
      %dma_start3A_216 = arith.constant 0 : i32
      %dma_start3A_217 = tpu.memref_slice %arg8[%select_n3A_175, %add3A_215, %dma_start3A_216] : memref<2x16x125xi32, #tpu.memory_space<vmem>> -> memref<1x1x125xi32, #tpu.memory_space<vmem>>
      %dma_start3A_218 = tpu.memref_squeeze %dma_start3A_217 : memref<1x1x125xi32, #tpu.memory_space<vmem>> -> memref<125xi32, #tpu.memory_space<vmem>>
      %dma_start3A_219 = arith.constant 0 : i32
      %dma_start3A_220 = arith.constant 0 : i32
      %dma_start3A_221 = tpu.memref_slice %arg11[%dma_start3A_219, %dma_start3A_220] : memref<10000x128xf32, #tpu.memory_space<vmem_shared>> -> memref<10000x128xf32, #tpu.memory_space<vmem_shared>>
      tpu.enqueue_indirect_dma source(%arg10 : memref<125x128xf32, #tpu.memory_space<vmem>>) target(%dma_start3A_221 : memref<10000x128xf32, #tpu.memory_space<vmem_shared>>) offsets(%dma_start3A_218 : memref<125xi32, #tpu.memory_space<vmem>>) semaphore(%arg15 : memref<!tpu.dma_semaphore, #tpu.memory_space<semaphore_mem>>) {add = true}
      %lt3A_222 = arith.constant 79 : i32
      %lt3A_223 = arith.cmpi slt, %scan3A_143, %lt3A_222 : i32
      %convert_element_type3A_224 = arith.extui %lt3A_223 : i1 to i32
      %cond3A_225 = arith.constant 0 : i32
      %cond3A_226 = arith.cmpi ne, %convert_element_type3A_224, %cond3A_225 : i32
      scf.if %cond3A_226 {
        %jit3A_227 = arith.constant 8 : i32
        %eq3A_228 = arith.constant 0 : i32
        %eq3A_229 = arith.cmpi eq, %jit3A_227, %eq3A_228 : i32
        %jit3A_230 = arith.constant 1 : i32
        %select_n3A_231 = arith.select %eq3A_229, %jit3A_230, %jit3A_227 : i32
        %rem3A_232 = arith.remsi %scan3A_143, %select_n3A_231 : i32
        %ne3A_233 = arith.constant 0 : i32
        %ne3A_234 = arith.cmpi ne, %rem3A_232, %ne3A_233 : i32
        %lt3A_235 = arith.constant 0 : i32
        %lt3A_236 = arith.cmpi slt, %rem3A_232, %lt3A_235 : i32
        %lt3A_237 = arith.constant 0 : i32
        %lt3A_238 = arith.cmpi slt, %select_n3A_231, %lt3A_237 : i32
        %ne3A_239 = arith.xori %lt3A_236, %lt3A_238 : i1
        %and3A_240 = arith.andi %ne3A_239, %ne3A_234 : i1
        %add3A_241 = arith.addi %rem3A_232, %select_n3A_231 : i32
        %select_n3A_242 = arith.select %and3A_240, %add3A_241, %rem3A_232 : i32
        %eq3A_243 = arith.constant 7 : i32
        %eq3A_244 = arith.cmpi eq, %select_n3A_242, %eq3A_243 : i32
        %convert_element_type3A_245 = arith.extui %eq3A_244 : i1 to i32
        %cond3A_246 = arith.constant 0 : i32
        %cond3A_247 = arith.cmpi ne, %convert_element_type3A_245, %cond3A_246 : i32
        scf.if %cond3A_247 {
          %sub3A_362 = arith.constant 1 : i32
          %sub3A_363 = arith.subi %sub3A_362, %select_n3A_175 : i32
          %dma_wait3A_364 = arith.constant 0 : i32
          %dma_wait3A_365 = arith.constant 0 : i32
          %dma_wait3A_366 = tpu.memref_slice %arg7[%sub3A_363, %dma_wait3A_364, %dma_wait3A_365] : memref<2x16x125xi32, #tpu.memory_space<vmem>> -> memref<1x16x125xi32, #tpu.memory_space<vmem>>
          %dma_wait3A_367 = tpu.memref_squeeze %dma_wait3A_366 : memref<1x16x125xi32, #tpu.memory_space<vmem>> -> memref<16x125xi32, #tpu.memory_space<vmem>>
          %dma_wait3A_368 = arith.constant 0 : i32
          %dma_wait3A_369 = tpu.memref_slice %arg3[%add3A, %dma_wait3A_368] : memref<5120x125xi32, #tpu.memory_space<hbm>> -> memref<16x125xi32, #tpu.memory_space<hbm>>
          %dma_wait3A_370 = arith.constant 0 : i32
          %dma_wait3A_371 = arith.constant 0 : i32
          %dma_wait3A_372 = tpu.memref_slice %arg7[%sub3A_363, %dma_wait3A_370, %dma_wait3A_371] : memref<2x16x125xi32, #tpu.memory_space<vmem>> -> memref<1x16x125xi32, #tpu.memory_space<vmem>>
          %dma_wait3A_373 = tpu.memref_squeeze %dma_wait3A_372 : memref<1x16x125xi32, #tpu.memory_space<vmem>> -> memref<16x125xi32, #tpu.memory_space<vmem>>
          %dma_wait3A_374 = arith.constant 0 : i32
          %dma_wait3A_375 = tpu.memref_slice %arg3[%add3A, %dma_wait3A_374] : memref<5120x125xi32, #tpu.memory_space<hbm>> -> memref<16x125xi32, #tpu.memory_space<hbm>>
          tpu.wait_dma2 semaphore(%arg16 : memref<!tpu.dma_semaphore, #tpu.memory_space<semaphore_mem>>) src(%dma_wait3A_375 : memref<16x125xi32, #tpu.memory_space<hbm>>) dst(%dma_wait3A_373 : memref<16x125xi32, #tpu.memory_space<vmem>>)
          %dma_wait3A_376 = arith.constant 0 : i32
          %dma_wait3A_377 = arith.constant 0 : i32
          %dma_wait3A_378 = tpu.memref_slice %arg8[%sub3A_363, %dma_wait3A_376, %dma_wait3A_377] : memref<2x16x125xi32, #tpu.memory_space<vmem>> -> memref<1x16x125xi32, #tpu.memory_space<vmem>>
          %dma_wait3A_379 = tpu.memref_squeeze %dma_wait3A_378 : memref<1x16x125xi32, #tpu.memory_space<vmem>> -> memref<16x125xi32, #tpu.memory_space<vmem>>
          %dma_wait3A_380 = arith.constant 0 : i32
          %dma_wait3A_381 = tpu.memref_slice %arg4[%add3A, %dma_wait3A_380] : memref<5120x125xi32, #tpu.memory_space<hbm>> -> memref<16x125xi32, #tpu.memory_space<hbm>>
          %dma_wait3A_382 = arith.constant 0 : i32
          %dma_wait3A_383 = arith.constant 0 : i32
          %dma_wait3A_384 = tpu.memref_slice %arg8[%sub3A_363, %dma_wait3A_382, %dma_wait3A_383] : memref<2x16x125xi32, #tpu.memory_space<vmem>> -> memref<1x16x125xi32, #tpu.memory_space<vmem>>
          %dma_wait3A_385 = tpu.memref_squeeze %dma_wait3A_384 : memref<1x16x125xi32, #tpu.memory_space<vmem>> -> memref<16x125xi32, #tpu.memory_space<vmem>>
          %dma_wait3A_386 = arith.constant 0 : i32
          %dma_wait3A_387 = tpu.memref_slice %arg4[%add3A, %dma_wait3A_386] : memref<5120x125xi32, #tpu.memory_space<hbm>> -> memref<16x125xi32, #tpu.memory_space<hbm>>
          tpu.wait_dma2 semaphore(%arg16 : memref<!tpu.dma_semaphore, #tpu.memory_space<semaphore_mem>>) src(%dma_wait3A_387 : memref<16x125xi32, #tpu.memory_space<hbm>>) dst(%dma_wait3A_385 : memref<16x125xi32, #tpu.memory_space<vmem>>)
        } else {
        }
        %add3A_248 = arith.constant 1 : i32
        %add3A_249 = arith.addi %scan3A_143, %add3A_248 : i32
        %jit3A_250 = arith.constant 8 : i32
        %div3A_251 = arith.divsi %add3A_249, %jit3A_250 : i32
        %sign3A_252 = arith.constant 0 : i32
        %sign3A_253 = arith.cmpi sgt, %add3A_249, %sign3A_252 : i32
        %sign3A_254 = arith.extui %sign3A_253 : i1 to i32
        %sign3A_255 = arith.constant 0 : i32
        %sign3A_256 = arith.cmpi slt, %add3A_249, %sign3A_255 : i32
        %sign3A_257 = arith.extui %sign3A_256 : i1 to i32
        %sign3A_258 = arith.subi %sign3A_254, %sign3A_257 : i32
        %sign3A_259 = arith.constant 0 : i32
        %sign3A_260 = arith.cmpi sgt, %jit3A_250, %sign3A_259 : i32
        %sign3A_261 = arith.extui %sign3A_260 : i1 to i32
        %sign3A_262 = arith.constant 0 : i32
        %sign3A_263 = arith.cmpi slt, %jit3A_250, %sign3A_262 : i32
        %sign3A_264 = arith.extui %sign3A_263 : i1 to i32
        %sign3A_265 = arith.subi %sign3A_261, %sign3A_264 : i32
        %ne3A_266 = arith.cmpi ne, %sign3A_258, %sign3A_265 : i32
        %rem3A_267 = arith.remsi %add3A_249, %jit3A_250 : i32
        %ne3A_268 = arith.constant 0 : i32
        %ne3A_269 = arith.cmpi ne, %rem3A_267, %ne3A_268 : i32
        %and3A_270 = arith.andi %ne3A_266, %ne3A_269 : i1
        %sub3A_271 = arith.constant 1 : i32
        %sub3A_272 = arith.subi %div3A_251, %sub3A_271 : i32
        %select_n3A_273 = arith.select %and3A_270, %sub3A_272, %div3A_251 : i32
        %jit3A_274 = arith.constant 2 : i32
        %eq3A_275 = arith.constant 0 : i32
        %eq3A_276 = arith.cmpi eq, %jit3A_274, %eq3A_275 : i32
        %jit3A_277 = arith.constant 1 : i32
        %select_n3A_278 = arith.select %eq3A_276, %jit3A_277, %jit3A_274 : i32
        %rem3A_279 = arith.remsi %select_n3A_273, %select_n3A_278 : i32
        %ne3A_280 = arith.constant 0 : i32
        %ne3A_281 = arith.cmpi ne, %rem3A_279, %ne3A_280 : i32
        %lt3A_282 = arith.constant 0 : i32
        %lt3A_283 = arith.cmpi slt, %rem3A_279, %lt3A_282 : i32
        %lt3A_284 = arith.constant 0 : i32
        %lt3A_285 = arith.cmpi slt, %select_n3A_278, %lt3A_284 : i32
        %ne3A_286 = arith.xori %lt3A_283, %lt3A_285 : i1
        %and3A_287 = arith.andi %ne3A_286, %ne3A_281 : i1
        %add3A_288 = arith.addi %rem3A_279, %select_n3A_278 : i32
        %select_n3A_289 = arith.select %and3A_287, %add3A_288, %rem3A_279 : i32
        %add3A_290 = arith.constant 1 : i32
        %add3A_291 = arith.addi %scan3A_143, %add3A_290 : i32
        %jit3A_292 = arith.constant 8 : i32
        %eq3A_293 = arith.constant 0 : i32
        %eq3A_294 = arith.cmpi eq, %jit3A_292, %eq3A_293 : i32
        %jit3A_295 = arith.constant 1 : i32
        %select_n3A_296 = arith.select %eq3A_294, %jit3A_295, %jit3A_292 : i32
        %rem3A_297 = arith.remsi %add3A_291, %select_n3A_296 : i32
        %ne3A_298 = arith.constant 0 : i32
        %ne3A_299 = arith.cmpi ne, %rem3A_297, %ne3A_298 : i32
        %lt3A_300 = arith.constant 0 : i32
        %lt3A_301 = arith.cmpi slt, %rem3A_297, %lt3A_300 : i32
        %lt3A_302 = arith.constant 0 : i32
        %lt3A_303 = arith.cmpi slt, %select_n3A_296, %lt3A_302 : i32
        %ne3A_304 = arith.xori %lt3A_301, %lt3A_303 : i1
        %and3A_305 = arith.andi %ne3A_304, %ne3A_299 : i1
        %add3A_306 = arith.addi %rem3A_297, %select_n3A_296 : i32
        %select_n3A_307 = arith.select %and3A_305, %add3A_306, %rem3A_297 : i32
        %mul3A_308 = arith.constant 2 : i32
        %mul3A_309 = arith.muli %mul3A_308, %select_n3A_307 : i32
        %dma_wait3A_310 = arith.constant 0 : i32
        %dma_wait3A_311 = tpu.memref_slice %arg8[%select_n3A_175, %mul3A_193, %dma_wait3A_310] : memref<2x16x125xi32, #tpu.memory_space<vmem>> -> memref<1x1x125xi32, #tpu.memory_space<vmem>>
        %dma_wait3A_312 = tpu.memref_squeeze %dma_wait3A_311 : memref<1x1x125xi32, #tpu.memory_space<vmem>> -> memref<125xi32, #tpu.memory_space<vmem>>
        %dma_wait3A_313 = arith.constant 0 : i32
        %dma_wait3A_314 = arith.constant 0 : i32
        %dma_wait3A_315 = tpu.memref_slice %arg11[%dma_wait3A_313, %dma_wait3A_314] : memref<10000x128xf32, #tpu.memory_space<vmem_shared>> -> memref<10000x128xf32, #tpu.memory_space<vmem_shared>>
        tpu.wait_indirect_dma semaphore(%arg14 : memref<!tpu.dma_semaphore, #tpu.memory_space<semaphore_mem>>) src(%arg9 : memref<125x128xf32, #tpu.memory_space<vmem>>) dst(%dma_wait3A_315 : memref<10000x128xf32, #tpu.memory_space<vmem_shared>>)
        %dma_start3A_316 = arith.constant 0 : i32
        %dma_start3A_317 = tpu.memref_slice %arg7[%select_n3A_289, %mul3A_309, %dma_start3A_316] : memref<2x16x125xi32, #tpu.memory_space<vmem>> -> memref<1x1x125xi32, #tpu.memory_space<vmem>>
        %dma_start3A_318 = tpu.memref_squeeze %dma_start3A_317 : memref<1x1x125xi32, #tpu.memory_space<vmem>> -> memref<125xi32, #tpu.memory_space<vmem>>
        %dma_start3A_319 = arith.constant 0 : i32
        %dma_start3A_320 = arith.constant 0 : i32
        %dma_start3A_321 = tpu.memref_slice %arg2[%dma_start3A_319, %dma_start3A_320] : memref<20000x128xf32, #tpu.memory_space<hbm>> -> memref<20000x128xf32, #tpu.memory_space<hbm>>
        tpu.enqueue_indirect_dma source(%dma_start3A_321 : memref<20000x128xf32, #tpu.memory_space<hbm>>) target(%arg9 : memref<125x128xf32, #tpu.memory_space<vmem>>) offsets(%dma_start3A_318 : memref<125xi32, #tpu.memory_space<vmem>>) semaphore(%arg12 : memref<!tpu.dma_semaphore, #tpu.memory_space<semaphore_mem>>)
        %add3A_322 = arith.constant 1 : i32
        %add3A_323 = arith.addi %mul3A_193, %add3A_322 : i32
        %dma_wait3A_324 = arith.constant 0 : i32
        %dma_wait3A_325 = tpu.memref_slice %arg8[%select_n3A_175, %add3A_323, %dma_wait3A_324] : memref<2x16x125xi32, #tpu.memory_space<vmem>> -> memref<1x1x125xi32, #tpu.memory_space<vmem>>
        %dma_wait3A_326 = tpu.memref_squeeze %dma_wait3A_325 : memref<1x1x125xi32, #tpu.memory_space<vmem>> -> memref<125xi32, #tpu.memory_space<vmem>>
        %dma_wait3A_327 = arith.constant 0 : i32
        %dma_wait3A_328 = arith.constant 0 : i32
        %dma_wait3A_329 = tpu.memref_slice %arg11[%dma_wait3A_327, %dma_wait3A_328] : memref<10000x128xf32, #tpu.memory_space<vmem_shared>> -> memref<10000x128xf32, #tpu.memory_space<vmem_shared>>
        tpu.wait_indirect_dma semaphore(%arg15 : memref<!tpu.dma_semaphore, #tpu.memory_space<semaphore_mem>>) src(%arg10 : memref<125x128xf32, #tpu.memory_space<vmem>>) dst(%dma_wait3A_329 : memref<10000x128xf32, #tpu.memory_space<vmem_shared>>)
        %add3A_330 = arith.constant 1 : i32
        %add3A_331 = arith.addi %mul3A_309, %add3A_330 : i32
        %dma_start3A_332 = arith.constant 0 : i32
        %dma_start3A_333 = tpu.memref_slice %arg7[%select_n3A_289, %add3A_331, %dma_start3A_332] : memref<2x16x125xi32, #tpu.memory_space<vmem>> -> memref<1x1x125xi32, #tpu.memory_space<vmem>>
        %dma_start3A_334 = tpu.memref_squeeze %dma_start3A_333 : memref<1x1x125xi32, #tpu.memory_space<vmem>> -> memref<125xi32, #tpu.memory_space<vmem>>
        %dma_start3A_335 = arith.constant 0 : i32
        %dma_start3A_336 = arith.constant 0 : i32
        %dma_start3A_337 = tpu.memref_slice %arg2[%dma_start3A_335, %dma_start3A_336] : memref<20000x128xf32, #tpu.memory_space<hbm>> -> memref<20000x128xf32, #tpu.memory_space<hbm>>
        tpu.enqueue_indirect_dma source(%dma_start3A_337 : memref<20000x128xf32, #tpu.memory_space<hbm>>) target(%arg10 : memref<125x128xf32, #tpu.memory_space<vmem>>) offsets(%dma_start3A_334 : memref<125xi32, #tpu.memory_space<vmem>>) semaphore(%arg13 : memref<!tpu.dma_semaphore, #tpu.memory_space<semaphore_mem>>)
        %jit3A_338 = arith.constant 8 : i32
        %eq3A_339 = arith.constant 0 : i32
        %eq3A_340 = arith.cmpi eq, %jit3A_338, %eq3A_339 : i32
        %jit3A_341 = arith.constant 1 : i32
        %select_n3A_342 = arith.select %eq3A_340, %jit3A_341, %jit3A_338 : i32
        %rem3A_343 = arith.remsi %scan3A_143, %select_n3A_342 : i32
        %ne3A_344 = arith.constant 0 : i32
        %ne3A_345 = arith.cmpi ne, %rem3A_343, %ne3A_344 : i32
        %lt3A_346 = arith.constant 0 : i32
        %lt3A_347 = arith.cmpi slt, %rem3A_343, %lt3A_346 : i32
        %lt3A_348 = arith.constant 0 : i32
        %lt3A_349 = arith.cmpi slt, %select_n3A_342, %lt3A_348 : i32
        %ne3A_350 = arith.xori %lt3A_347, %lt3A_349 : i1
        %and3A_351 = arith.andi %ne3A_350, %ne3A_345 : i1
        %add3A_352 = arith.addi %rem3A_343, %select_n3A_342 : i32
        %select_n3A_353 = arith.select %and3A_351, %add3A_352, %rem3A_343 : i32
        %eq3A_354 = arith.constant 7 : i32
        %eq3A_355 = arith.cmpi eq, %select_n3A_353, %eq3A_354 : i32
        %lt3A_356 = arith.constant 64 : i32
        %lt3A_357 = arith.cmpi slt, %scan3A_143, %lt3A_356 : i32
        %and3A_358 = arith.andi %eq3A_355, %lt3A_357 : i1
        %convert_element_type3A_359 = arith.extui %and3A_358 : i1 to i32
        %cond3A_360 = arith.constant 0 : i32
        %cond3A_361 = arith.cmpi ne, %convert_element_type3A_359, %cond3A_360 : i32
        scf.if %cond3A_361 {
          %jit3A_362 = arith.constant 8 : i32
          %div3A_363 = arith.divsi %scan3A_143, %jit3A_362 : i32
          %sign3A_364 = arith.constant 0 : i32
          %sign3A_365 = arith.cmpi sgt, %scan3A_143, %sign3A_364 : i32
          %sign3A_366 = arith.extui %sign3A_365 : i1 to i32
          %sign3A_367 = arith.constant 0 : i32
          %sign3A_368 = arith.cmpi slt, %scan3A_143, %sign3A_367 : i32
          %sign3A_369 = arith.extui %sign3A_368 : i1 to i32
          %sign3A_370 = arith.subi %sign3A_366, %sign3A_369 : i32
          %sign3A_371 = arith.constant 0 : i32
          %sign3A_372 = arith.cmpi sgt, %jit3A_362, %sign3A_371 : i32
          %sign3A_373 = arith.extui %sign3A_372 : i1 to i32
          %sign3A_374 = arith.constant 0 : i32
          %sign3A_375 = arith.cmpi slt, %jit3A_362, %sign3A_374 : i32
          %sign3A_376 = arith.extui %sign3A_375 : i1 to i32
          %sign3A_377 = arith.subi %sign3A_373, %sign3A_376 : i32
          %ne3A_378 = arith.cmpi ne, %sign3A_370, %sign3A_377 : i32
          %rem3A_379 = arith.remsi %scan3A_143, %jit3A_362 : i32
          %ne3A_380 = arith.constant 0 : i32
          %ne3A_381 = arith.cmpi ne, %rem3A_379, %ne3A_380 : i32
          %and3A_382 = arith.andi %ne3A_378, %ne3A_381 : i1
          %sub3A_383 = arith.constant 1 : i32
          %sub3A_384 = arith.subi %div3A_363, %sub3A_383 : i32
          %select_n3A_385 = arith.select %and3A_382, %sub3A_384, %div3A_363 : i32
          %add3A_386 = arith.constant 2 : i32
          %add3A_387 = arith.addi %select_n3A_385, %add3A_386 : i32
          %mul3A_388 = arith.constant 16 : i32
          %mul3A_389 = arith.muli %mul3A_388, %add3A_387 : i32
          %add3A_390 = arith.addi %add3A, %mul3A_389 : i32
          %dma_start3A_391 = arith.constant 0 : i32
          %dma_start3A_392 = arith.constant 0 : i32
          %dma_start3A_393 = tpu.memref_slice %arg7[%select_n3A_175, %dma_start3A_391, %dma_start3A_392] : memref<2x16x125xi32, #tpu.memory_space<vmem>> -> memref<1x16x125xi32, #tpu.memory_space<vmem>>
          %dma_start3A_394 = tpu.memref_squeeze %dma_start3A_393 : memref<1x16x125xi32, #tpu.memory_space<vmem>> -> memref<16x125xi32, #tpu.memory_space<vmem>>
          %dma_start3A_395 = arith.constant 0 : i32
          %dma_start3A_396 = tpu.memref_slice %arg3[%add3A_390, %dma_start3A_395] : memref<5120x125xi32, #tpu.memory_space<hbm>> -> memref<16x125xi32, #tpu.memory_space<hbm>>
          %dma_start3A_397 = arith.constant 0 : i32
          %dma_start3A_398 = arith.constant 0 : i32
          %dma_start3A_399 = tpu.memref_slice %arg7[%select_n3A_175, %dma_start3A_397, %dma_start3A_398] : memref<2x16x125xi32, #tpu.memory_space<vmem>> -> memref<1x16x125xi32, #tpu.memory_space<vmem>>
          %dma_start3A_400 = tpu.memref_squeeze %dma_start3A_399 : memref<1x16x125xi32, #tpu.memory_space<vmem>> -> memref<16x125xi32, #tpu.memory_space<vmem>>
          %dma_start3A_401 = arith.constant 0 : i32
          %dma_start3A_402 = tpu.memref_slice %arg3[%add3A_390, %dma_start3A_401] : memref<5120x125xi32, #tpu.memory_space<hbm>> -> memref<16x125xi32, #tpu.memory_space<hbm>>
          tpu.enqueue_dma source(%dma_start3A_402 : memref<16x125xi32, #tpu.memory_space<hbm>>) target(%dma_start3A_400 : memref<16x125xi32, #tpu.memory_space<vmem>>) target_semaphore(%arg16 : memref<!tpu.dma_semaphore, #tpu.memory_space<semaphore_mem>>)
          %mul3A_403 = arith.constant 16 : i32
          %mul3A_404 = arith.muli %mul3A_403, %add3A_387 : i32
          %add3A_405 = arith.addi %add3A, %mul3A_404 : i32
          %dma_start3A_406 = arith.constant 0 : i32
          %dma_start3A_407 = arith.constant 0 : i32
          %dma_start3A_408 = tpu.memref_slice %arg8[%select_n3A_175, %dma_start3A_406, %dma_start3A_407] : memref<2x16x125xi32, #tpu.memory_space<vmem>> -> memref<1x16x125xi32, #tpu.memory_space<vmem>>
          %dma_start3A_409 = tpu.memref_squeeze %dma_start3A_408 : memref<1x16x125xi32, #tpu.memory_space<vmem>> -> memref<16x125xi32, #tpu.memory_space<vmem>>
          %dma_start3A_410 = arith.constant 0 : i32
          %dma_start3A_411 = tpu.memref_slice %arg4[%add3A_405, %dma_start3A_410] : memref<5120x125xi32, #tpu.memory_space<hbm>> -> memref<16x125xi32, #tpu.memory_space<hbm>>
          %dma_start3A_412 = arith.constant 0 : i32
          %dma_start3A_413 = arith.constant 0 : i32
          %dma_start3A_414 = tpu.memref_slice %arg8[%select_n3A_175, %dma_start3A_412, %dma_start3A_413] : memref<2x16x125xi32, #tpu.memory_space<vmem>> -> memref<1x16x125xi32, #tpu.memory_space<vmem>>
          %dma_start3A_415 = tpu.memref_squeeze %dma_start3A_414 : memref<1x16x125xi32, #tpu.memory_space<vmem>> -> memref<16x125xi32, #tpu.memory_space<vmem>>
          %dma_start3A_416 = arith.constant 0 : i32
          %dma_start3A_417 = tpu.memref_slice %arg4[%add3A_405, %dma_start3A_416] : memref<5120x125xi32, #tpu.memory_space<hbm>> -> memref<16x125xi32, #tpu.memory_space<hbm>>
          tpu.enqueue_dma source(%dma_start3A_417 : memref<16x125xi32, #tpu.memory_space<hbm>>) target(%dma_start3A_415 : memref<16x125xi32, #tpu.memory_space<vmem>>) target_semaphore(%arg16 : memref<!tpu.dma_semaphore, #tpu.memory_space<semaphore_mem>>)
        } else {
        }
      } else {
      }
    }
    %scan3A_115 = arith.constant 80 : i32
    %dma_wait3A_116 = arith.constant 1 : i32
    %dma_wait3A_117 = arith.constant 14 : i32
    %dma_wait3A_118 = arith.constant 0 : i32
    %dma_wait3A_119 = tpu.memref_slice %arg8[%dma_wait3A_116, %dma_wait3A_117, %dma_wait3A_118] : memref<2x16x125xi32, #tpu.memory_space<vmem>> -> memref<1x1x125xi32, #tpu.memory_space<vmem>>
    %dma_wait3A_120 = tpu.memref_squeeze %dma_wait3A_119 : memref<1x1x125xi32, #tpu.memory_space<vmem>> -> memref<125xi32, #tpu.memory_space<vmem>>
    %dma_wait3A_121 = arith.constant 0 : i32
    %dma_wait3A_122 = arith.constant 0 : i32
    %dma_wait3A_123 = tpu.memref_slice %arg11[%dma_wait3A_121, %dma_wait3A_122] : memref<10000x128xf32, #tpu.memory_space<vmem_shared>> -> memref<10000x128xf32, #tpu.memory_space<vmem_shared>>
    tpu.wait_indirect_dma semaphore(%arg14 : memref<!tpu.dma_semaphore, #tpu.memory_space<semaphore_mem>>) src(%arg9 : memref<125x128xf32, #tpu.memory_space<vmem>>) dst(%dma_wait3A_123 : memref<10000x128xf32, #tpu.memory_space<vmem_shared>>)
    %dma_wait3A_124 = arith.constant 1 : i32
    %dma_wait3A_125 = arith.constant 15 : i32
    %dma_wait3A_126 = arith.constant 0 : i32
    %dma_wait3A_127 = tpu.memref_slice %arg8[%dma_wait3A_124, %dma_wait3A_125, %dma_wait3A_126] : memref<2x16x125xi32, #tpu.memory_space<vmem>> -> memref<1x1x125xi32, #tpu.memory_space<vmem>>
    %dma_wait3A_128 = tpu.memref_squeeze %dma_wait3A_127 : memref<1x1x125xi32, #tpu.memory_space<vmem>> -> memref<125xi32, #tpu.memory_space<vmem>>
    %dma_wait3A_129 = arith.constant 0 : i32
    %dma_wait3A_130 = arith.constant 0 : i32
    %dma_wait3A_131 = tpu.memref_slice %arg11[%dma_wait3A_129, %dma_wait3A_130] : memref<10000x128xf32, #tpu.memory_space<vmem_shared>> -> memref<10000x128xf32, #tpu.memory_space<vmem_shared>>
    tpu.wait_indirect_dma semaphore(%arg15 : memref<!tpu.dma_semaphore, #tpu.memory_space<semaphore_mem>>) src(%arg10 : memref<125x128xf32, #tpu.memory_space<vmem>>) dst(%dma_wait3A_131 : memref<10000x128xf32, #tpu.memory_space<vmem_shared>>)
    %barrier3A_132 = arith.constant 0 : index
    tpu.barrier barrier_id(%barrier3A_132)
    %lt3A_133 = arith.constant 15 : i32
    %lt3A_134 = arith.cmpi slt, %arg1, %lt3A_133 : i32
    %convert_element_type3A_135 = arith.extui %lt3A_134 : i1 to i32
    %cond3A_136 = arith.constant 0 : i32
    %cond3A_137 = arith.cmpi ne, %convert_element_type3A_135, %cond3A_136 : i32
    scf.if %cond3A_137 {
      %mul3A_143 = arith.constant 624 : i32
      %mul3A_144 = arith.muli %arg1, %mul3A_143 : i32
      %mul3A_145 = arith.constant 10000 : i32
      %mul3A_146 = arith.muli %arg0, %mul3A_145 : i32
      %mul3A_147 = arith.constant 624 : i32
      %mul3A_148 = arith.muli %arg1, %mul3A_147 : i32
      %add3A_149 = arith.addi %mul3A_146, %mul3A_148 : i32
      "tpu.region"() ({
        %run_scoped3A = tpu.sem_alloc : memref<!tpu.dma_semaphore, #tpu.memory_space<semaphore_mem>>
        %dma_start3A_150 = arith.constant 0 : i32
        %dma_start3A_151 = tpu.memref_slice %arg6[%add3A_149, %dma_start3A_150] : memref<20000x128xf32, #tpu.memory_space<hbm>> -> memref<624x128xf32, #tpu.memory_space<hbm>>
        %dma_start3A_152 = arith.constant 0 : i32
        %dma_start3A_153 = tpu.memref_slice %arg11[%mul3A_144, %dma_start3A_152] : memref<10000x128xf32, #tpu.memory_space<vmem_shared>> -> memref<624x128xf32, #tpu.memory_space<vmem_shared>>
        tpu.enqueue_dma source(%dma_start3A_153 : memref<624x128xf32, #tpu.memory_space<vmem_shared>>) target(%dma_start3A_151 : memref<624x128xf32, #tpu.memory_space<hbm>>) target_semaphore(%run_scoped3A : memref<!tpu.dma_semaphore, #tpu.memory_space<semaphore_mem>>)
        %dma_wait3A_154 = arith.constant 0 : i32
        %dma_wait3A_155 = tpu.memref_slice %arg6[%add3A_149, %dma_wait3A_154] : memref<20000x128xf32, #tpu.memory_space<hbm>> -> memref<624x128xf32, #tpu.memory_space<hbm>>
        %dma_wait3A_156 = arith.constant 0 : i32
        %dma_wait3A_157 = tpu.memref_slice %arg11[%mul3A_144, %dma_wait3A_156] : memref<10000x128xf32, #tpu.memory_space<vmem_shared>> -> memref<624x128xf32, #tpu.memory_space<vmem_shared>>
        tpu.wait_dma2 semaphore(%run_scoped3A : memref<!tpu.dma_semaphore, #tpu.memory_space<semaphore_mem>>) src(%dma_wait3A_157 : memref<624x128xf32, #tpu.memory_space<vmem_shared>>) dst(%dma_wait3A_155 : memref<624x128xf32, #tpu.memory_space<hbm>>)
        tpu.yield
      }) : () -> ()
    } else {
    }
    %eq3A_138 = arith.constant 15 : i32
    %eq3A_139 = arith.cmpi eq, %arg1, %eq3A_138 : i32
    %convert_element_type3A_140 = arith.extui %eq3A_139 : i1 to i32
    %cond3A_141 = arith.constant 0 : i32
    %cond3A_142 = arith.cmpi ne, %convert_element_type3A_140, %cond3A_141 : i32
    scf.if %cond3A_142 {
      %mul3A_143 = arith.constant 10000 : i32
      %mul3A_144 = arith.muli %arg0, %mul3A_143 : i32
      %add3A_145 = arith.constant 9360 : i32
      %add3A_146 = arith.addi %mul3A_144, %add3A_145 : i32
      "tpu.region"() ({
        %run_scoped3A = tpu.sem_alloc : memref<!tpu.dma_semaphore, #tpu.memory_space<semaphore_mem>>
        %dma_start3A_147 = arith.constant 0 : i32
        %dma_start3A_148 = tpu.memref_slice %arg6[%add3A_146, %dma_start3A_147] : memref<20000x128xf32, #tpu.memory_space<hbm>> -> memref<640x128xf32, #tpu.memory_space<hbm>>
        %dma_start3A_149 = arith.constant 9360 : i32
        %dma_start3A_150 = arith.constant 0 : i32
        %dma_start3A_151 = tpu.memref_slice %arg11[%dma_start3A_149, %dma_start3A_150] : memref<10000x128xf32, #tpu.memory_space<vmem_shared>> -> memref<640x128xf32, #tpu.memory_space<vmem_shared>>
        tpu.enqueue_dma source(%dma_start3A_151 : memref<640x128xf32, #tpu.memory_space<vmem_shared>>) target(%dma_start3A_148 : memref<640x128xf32, #tpu.memory_space<hbm>>) target_semaphore(%run_scoped3A : memref<!tpu.dma_semaphore, #tpu.memory_space<semaphore_mem>>)
        %dma_wait3A_152 = arith.constant 0 : i32
        %dma_wait3A_153 = tpu.memref_slice %arg6[%add3A_146, %dma_wait3A_152] : memref<20000x128xf32, #tpu.memory_space<hbm>> -> memref<640x128xf32, #tpu.memory_space<hbm>>
        %dma_wait3A_154 = arith.constant 9360 : i32
        %dma_wait3A_155 = arith.constant 0 : i32
        %dma_wait3A_156 = tpu.memref_slice %arg11[%dma_wait3A_154, %dma_wait3A_155] : memref<10000x128xf32, #tpu.memory_space<vmem_shared>> -> memref<640x128xf32, #tpu.memory_space<vmem_shared>>
        tpu.wait_dma2 semaphore(%run_scoped3A : memref<!tpu.dma_semaphore, #tpu.memory_space<semaphore_mem>>) src(%dma_wait3A_156 : memref<640x128xf32, #tpu.memory_space<vmem_shared>>) dst(%dma_wait3A_153 : memref<640x128xf32, #tpu.memory_space<hbm>>)
        tpu.yield
      }) : () -> ()
    } else {
    }
    return
  }
}

module attributes {stable_mosaic.version = 14 : i64} {
  func.func @_dense_body(%arg0: i32, %arg1: memref<1000x128xf32, #tpu.memory_space<vmem>>, %arg2: memref<1000x128xf32, #tpu.memory_space<vmem>>, %arg3: memref<128x128xf32, #tpu.memory_space<vmem>>, %arg4: memref<128x128xf32, #tpu.memory_space<vmem>>, %arg5: memref<1x128xf32, #tpu.memory_space<vmem>>, %arg6: memref<128x128xf32, #tpu.memory_space<vmem>>, %arg7: memref<128x128xf32, #tpu.memory_space<vmem>>, %arg8: memref<1x128xf32, #tpu.memory_space<vmem>>, %arg9: memref<256x125xi32, #tpu.memory_space<vmem>>, %arg10: memref<256x125xi32, #tpu.memory_space<vmem>>, %arg11: memref<256x125xi32, #tpu.memory_space<vmem>>, %arg12: memref<256x125xi32, #tpu.memory_space<vmem>>, %arg13: memref<2x1000x128xf32, #tpu.memory_space<vmem>>, %arg14: memref<2x1000x128xf32, #tpu.memory_space<vmem>>, %arg15: memref<2x256x125xi32, #tpu.memory_space<vmem>>, %arg16: memref<2x256x125xi32, #tpu.memory_space<vmem>>) attributes {dimension_semantics = [#tpu.dimension_semantics<arbitrary>], iteration_bounds = array<i64: 10>, scalar_prefetch = 0 : i64, scratch_operands = 0 : i64, tpu.core_type = #tpu.core_type<tc>, window_params = [{transform_indices = @transform_0, window_bounds = array<i64: 1000, 128>}, {transform_indices = @transform_1, window_bounds = array<i64: 1000, 128>}, {pipeline_mode = #tpu.pipeline_mode<synchronous>, transform_indices = @transform_2, window_bounds = array<i64: 128, 128>}, {pipeline_mode = #tpu.pipeline_mode<synchronous>, transform_indices = @transform_3, window_bounds = array<i64: 128, 128>}, {pipeline_mode = #tpu.pipeline_mode<synchronous>, transform_indices = @transform_4, window_bounds = array<i64: 1, 128>}, {pipeline_mode = #tpu.pipeline_mode<synchronous>, transform_indices = @transform_5, window_bounds = array<i64: 128, 128>}, {pipeline_mode = #tpu.pipeline_mode<synchronous>, transform_indices = @transform_6, window_bounds = array<i64: 128, 128>}, {pipeline_mode = #tpu.pipeline_mode<synchronous>, transform_indices = @transform_7, window_bounds = array<i64: 1, 128>}, {transform_indices = @transform_8, window_bounds = array<i64: 256, 125>}, {transform_indices = @transform_9, window_bounds = array<i64: 256, 125>}, {transform_indices = @transform_10, window_bounds = array<i64: 256, 125>}, {transform_indices = @transform_11, window_bounds = array<i64: 256, 125>}, {transform_indices = @transform_12, window_bounds = array<i64: 2, 1000, 128>}, {transform_indices = @transform_13, window_bounds = array<i64: 2, 1000, 128>}, {transform_indices = @transform_14, window_bounds = array<i64: 2, 256, 125>}, {transform_indices = @transform_15, window_bounds = array<i64: 2, 256, 125>}]} {
    %get3A = arith.constant 0 : index
    %get3A_0 = arith.constant 0 : index
    %get3A_1 = vector.load %arg1[%get3A, %get3A_0] : memref<1000x128xf32, #tpu.memory_space<vmem>>, vector<1000x128xf32>
    %get3A_2 = arith.constant 0 : index
    %get3A_3 = arith.constant 0 : index
    %get3A_4 = vector.load %arg3[%get3A_2, %get3A_3] : memref<128x128xf32, #tpu.memory_space<vmem>>, vector<128x128xf32>
    %dot_general3A = arith.constant dense<0.000000e+00> : vector<1000x128xf32>
    %dot_general3A_5 = tpu.matmul %get3A_1, %get3A_4, %dot_general3A {dimension_numbers = #tpu.dot_dimension_numbers<[1], [0], [0], [1], [0, 0, 1, 1], [], []>, transpose_lhs_hint = false} : vector<1000x128xf32>, vector<128x128xf32>, vector<1000x128xf32> -> vector<1000x128xf32>
    %swap3A = arith.constant 0 : index
    %swap3A_6 = arith.constant 0 : index
    %swap3A_7 = arith.constant 0 : index
    %swap3A_8 = vector.load %arg13[%swap3A, %swap3A_6, %swap3A_7] : memref<2x1000x128xf32, #tpu.memory_space<vmem>>, vector<1x1000x128xf32>
    %swap3A_9 = vector.shape_cast %swap3A_8 : vector<1x1000x128xf32> to vector<1000x128xf32>
    %swap3A_10 = vector.shape_cast %dot_general3A_5 : vector<1000x128xf32> to vector<1x1000x128xf32>
    tpu.vector_store %arg13[%swap3A, %swap3A_6, %swap3A_7], %swap3A_10 {strides = array<i32>} : memref<2x1000x128xf32, #tpu.memory_space<vmem>>, vector<1x1000x128xf32>,
    %get3A_11 = arith.constant 0 : index
    %get3A_12 = arith.constant 0 : index
    %get3A_13 = vector.load %arg2[%get3A_11, %get3A_12] : memref<1000x128xf32, #tpu.memory_space<vmem>>, vector<1000x128xf32>
    %get3A_14 = arith.constant 0 : index
    %get3A_15 = arith.constant 0 : index
    %get3A_16 = vector.load %arg6[%get3A_14, %get3A_15] : memref<128x128xf32, #tpu.memory_space<vmem>>, vector<128x128xf32>
    %dot_general3A_17 = arith.constant dense<0.000000e+00> : vector<1000x128xf32>
    %dot_general3A_18 = tpu.matmul %get3A_13, %get3A_16, %dot_general3A_17 {dimension_numbers = #tpu.dot_dimension_numbers<[1], [0], [0], [1], [0, 0, 1, 1], [], []>, transpose_lhs_hint = false} : vector<1000x128xf32>, vector<128x128xf32>, vector<1000x128xf32> -> vector<1000x128xf32>
    %swap3A_19 = arith.constant 1 : index
    %swap3A_20 = arith.constant 0 : index
    %swap3A_21 = arith.constant 0 : index
    %swap3A_22 = vector.load %arg13[%swap3A_19, %swap3A_20, %swap3A_21] : memref<2x1000x128xf32, #tpu.memory_space<vmem>>, vector<1x1000x128xf32>
    %swap3A_23 = vector.shape_cast %swap3A_22 : vector<1x1000x128xf32> to vector<1000x128xf32>
    %swap3A_24 = vector.shape_cast %dot_general3A_18 : vector<1000x128xf32> to vector<1x1000x128xf32>
    tpu.vector_store %arg13[%swap3A_19, %swap3A_20, %swap3A_21], %swap3A_24 {strides = array<i32>} : memref<2x1000x128xf32, #tpu.memory_space<vmem>>, vector<1x1000x128xf32>,
    %get3A_25 = arith.constant 0 : index
    %get3A_26 = arith.constant 0 : index
    %get3A_27 = vector.load %arg2[%get3A_25, %get3A_26] : memref<1000x128xf32, #tpu.memory_space<vmem>>, vector<1000x128xf32>
    %get3A_28 = arith.constant 0 : index
    %get3A_29 = arith.constant 0 : index
    %get3A_30 = vector.load %arg4[%get3A_28, %get3A_29] : memref<128x128xf32, #tpu.memory_space<vmem>>, vector<128x128xf32>
    %dot_general3A_31 = arith.constant dense<0.000000e+00> : vector<1000x128xf32>
    %dot_general3A_32 = tpu.matmul %get3A_27, %get3A_30, %dot_general3A_31 {dimension_numbers = #tpu.dot_dimension_numbers<[1], [0], [0], [1], [0, 0, 1, 1], [], []>, transpose_lhs_hint = false} : vector<1000x128xf32>, vector<128x128xf32>, vector<1000x128xf32> -> vector<1000x128xf32>
    %get3A_33 = arith.constant 0 : index
    %get3A_34 = arith.constant 0 : index
    %get3A_35 = vector.load %arg5[%get3A_33, %get3A_34] : memref<1x128xf32, #tpu.memory_space<vmem>>, vector<1x128xf32>
    %add3A = vector.broadcast %get3A_35 : vector<1x128xf32> to vector<1000x128xf32>
    %add3A_36 = arith.addf %dot_general3A_32, %add3A : vector<1000x128xf32>
    %swap3A_37 = arith.constant 0 : index
    %swap3A_38 = arith.constant 0 : index
    %swap3A_39 = arith.constant 0 : index
    %swap3A_40 = vector.load %arg14[%swap3A_37, %swap3A_38, %swap3A_39] : memref<2x1000x128xf32, #tpu.memory_space<vmem>>, vector<1x1000x128xf32>
    %swap3A_41 = vector.shape_cast %swap3A_40 : vector<1x1000x128xf32> to vector<1000x128xf32>
    %swap3A_42 = vector.shape_cast %add3A_36 : vector<1000x128xf32> to vector<1x1000x128xf32>
    tpu.vector_store %arg14[%swap3A_37, %swap3A_38, %swap3A_39], %swap3A_42 {strides = array<i32>} : memref<2x1000x128xf32, #tpu.memory_space<vmem>>, vector<1x1000x128xf32>,
    %get3A_43 = arith.constant 0 : index
    %get3A_44 = arith.constant 0 : index
    %get3A_45 = vector.load %arg1[%get3A_43, %get3A_44] : memref<1000x128xf32, #tpu.memory_space<vmem>>, vector<1000x128xf32>
    %get3A_46 = arith.constant 0 : index
    %get3A_47 = arith.constant 0 : index
    %get3A_48 = vector.load %arg7[%get3A_46, %get3A_47] : memref<128x128xf32, #tpu.memory_space<vmem>>, vector<128x128xf32>
    %dot_general3A_49 = arith.constant dense<0.000000e+00> : vector<1000x128xf32>
    %dot_general3A_50 = tpu.matmul %get3A_45, %get3A_48, %dot_general3A_49 {dimension_numbers = #tpu.dot_dimension_numbers<[1], [0], [0], [1], [0, 0, 1, 1], [], []>, transpose_lhs_hint = false} : vector<1000x128xf32>, vector<128x128xf32>, vector<1000x128xf32> -> vector<1000x128xf32>
    %get3A_51 = arith.constant 0 : index
    %get3A_52 = arith.constant 0 : index
    %get3A_53 = vector.load %arg8[%get3A_51, %get3A_52] : memref<1x128xf32, #tpu.memory_space<vmem>>, vector<1x128xf32>
    %add3A_54 = vector.broadcast %get3A_53 : vector<1x128xf32> to vector<1000x128xf32>
    %add3A_55 = arith.addf %dot_general3A_50, %add3A_54 : vector<1000x128xf32>
    %swap3A_56 = arith.constant 1 : index
    %swap3A_57 = arith.constant 0 : index
    %swap3A_58 = arith.constant 0 : index
    %swap3A_59 = vector.load %arg14[%swap3A_56, %swap3A_57, %swap3A_58] : memref<2x1000x128xf32, #tpu.memory_space<vmem>>, vector<1x1000x128xf32>
    %swap3A_60 = vector.shape_cast %swap3A_59 : vector<1x1000x128xf32> to vector<1000x128xf32>
    %swap3A_61 = vector.shape_cast %add3A_55 : vector<1000x128xf32> to vector<1x1000x128xf32>
    tpu.vector_store %arg14[%swap3A_56, %swap3A_57, %swap3A_58], %swap3A_61 {strides = array<i32>} : memref<2x1000x128xf32, #tpu.memory_space<vmem>>, vector<1x1000x128xf32>,
    %get3A_62 = arith.constant 0 : index
    %get3A_63 = arith.constant 0 : index
    %get3A_64 = vector.load %arg9[%get3A_62, %get3A_63] : memref<256x125xi32, #tpu.memory_space<vmem>>, vector<256x125xi32>
    %swap3A_65 = arith.constant 0 : index
    %swap3A_66 = arith.constant 0 : index
    %swap3A_67 = arith.constant 0 : index
    %swap3A_68 = vector.load %arg15[%swap3A_65, %swap3A_66, %swap3A_67] : memref<2x256x125xi32, #tpu.memory_space<vmem>>, vector<1x256x125xi32>
    %swap3A_69 = vector.shape_cast %swap3A_68 : vector<1x256x125xi32> to vector<256x125xi32>
    %swap3A_70 = vector.shape_cast %get3A_64 : vector<256x125xi32> to vector<1x256x125xi32>
    tpu.vector_store %arg15[%swap3A_65, %swap3A_66, %swap3A_67], %swap3A_70 {strides = array<i32>} : memref<2x256x125xi32, #tpu.memory_space<vmem>>, vector<1x256x125xi32>,
    %get3A_71 = arith.constant 0 : index
    %get3A_72 = arith.constant 0 : index
    %get3A_73 = vector.load %arg11[%get3A_71, %get3A_72] : memref<256x125xi32, #tpu.memory_space<vmem>>, vector<256x125xi32>
    %add3A_74 = arith.constant 10000 : i32
    %add3A_75 = vector.broadcast %add3A_74 : i32 to vector<256x125xi32>
    %add3A_76 = arith.addi %get3A_73, %add3A_75 : vector<256x125xi32>
    %swap3A_77 = arith.constant 1 : index
    %swap3A_78 = arith.constant 0 : index
    %swap3A_79 = arith.constant 0 : index
    %swap3A_80 = vector.load %arg15[%swap3A_77, %swap3A_78, %swap3A_79] : memref<2x256x125xi32, #tpu.memory_space<vmem>>, vector<1x256x125xi32>
    %swap3A_81 = vector.shape_cast %swap3A_80 : vector<1x256x125xi32> to vector<256x125xi32>
    %swap3A_82 = vector.shape_cast %add3A_76 : vector<256x125xi32> to vector<1x256x125xi32>
    tpu.vector_store %arg15[%swap3A_77, %swap3A_78, %swap3A_79], %swap3A_82 {strides = array<i32>} : memref<2x256x125xi32, #tpu.memory_space<vmem>>, vector<1x256x125xi32>,
    %get3A_83 = arith.constant 0 : index
    %get3A_84 = arith.constant 0 : index
    %get3A_85 = vector.load %arg10[%get3A_83, %get3A_84] : memref<256x125xi32, #tpu.memory_space<vmem>>, vector<256x125xi32>
    %swap3A_86 = arith.constant 0 : index
    %swap3A_87 = arith.constant 0 : index
    %swap3A_88 = arith.constant 0 : index
    %swap3A_89 = vector.load %arg16[%swap3A_86, %swap3A_87, %swap3A_88] : memref<2x256x125xi32, #tpu.memory_space<vmem>>, vector<1x256x125xi32>
    %swap3A_90 = vector.shape_cast %swap3A_89 : vector<1x256x125xi32> to vector<256x125xi32>
    %swap3A_91 = vector.shape_cast %get3A_85 : vector<256x125xi32> to vector<1x256x125xi32>
    tpu.vector_store %arg16[%swap3A_86, %swap3A_87, %swap3A_88], %swap3A_91 {strides = array<i32>} : memref<2x256x125xi32, #tpu.memory_space<vmem>>, vector<1x256x125xi32>,
    %get3A_92 = arith.constant 0 : index
    %get3A_93 = arith.constant 0 : index
    %get3A_94 = vector.load %arg12[%get3A_92, %get3A_93] : memref<256x125xi32, #tpu.memory_space<vmem>>, vector<256x125xi32>
    %swap3A_95 = arith.constant 1 : index
    %swap3A_96 = arith.constant 0 : index
    %swap3A_97 = arith.constant 0 : index
    %swap3A_98 = vector.load %arg16[%swap3A_95, %swap3A_96, %swap3A_97] : memref<2x256x125xi32, #tpu.memory_space<vmem>>, vector<1x256x125xi32>
    %swap3A_99 = vector.shape_cast %swap3A_98 : vector<1x256x125xi32> to vector<256x125xi32>
    %swap3A_100 = vector.shape_cast %get3A_94 : vector<256x125xi32> to vector<1x256x125xi32>
    tpu.vector_store %arg16[%swap3A_95, %swap3A_96, %swap3A_97], %swap3A_100 {strides = array<i32>} : memref<2x256x125xi32, #tpu.memory_space<vmem>>, vector<1x256x125xi32>,
    return
  }
  func.func @transform_0(%arg0: i32) -> (i32, i32) {
    %c0_i32 = arith.constant 0 : i32
    %c0_i32_0 = arith.constant 0 : i32
    return %arg0, %c0_i32 : i32, i32
  }
  func.func @transform_1(%arg0: i32) -> (i32, i32) {
    %c0_i32 = arith.constant 0 : i32
    %c0_i32_0 = arith.constant 0 : i32
    return %arg0, %c0_i32 : i32, i32
  }
  func.func @transform_2(%arg0: i32) -> (i32, i32) {
    %c0_i32 = arith.constant 0 : i32
    %c0_i32_0 = arith.constant 0 : i32
    %c0_i32_1 = arith.constant 0 : i32
    return %c0_i32, %c0_i32_0 : i32, i32
  }
  func.func @transform_3(%arg0: i32) -> (i32, i32) {
    %c0_i32 = arith.constant 0 : i32
    %c0_i32_0 = arith.constant 0 : i32
    %c0_i32_1 = arith.constant 0 : i32
    return %c0_i32, %c0_i32_0 : i32, i32
  }
  func.func @transform_4(%arg0: i32) -> (i32, i32) {
    %c0_i32 = arith.constant 0 : i32
    %c0_i32_0 = arith.constant 0 : i32
    %c0_i32_1 = arith.constant 0 : i32
    return %c0_i32, %c0_i32_0 : i32, i32
  }
  func.func @transform_5(%arg0: i32) -> (i32, i32) {
    %c0_i32 = arith.constant 0 : i32
    %c0_i32_0 = arith.constant 0 : i32
    %c0_i32_1 = arith.constant 0 : i32
    return %c0_i32, %c0_i32_0 : i32, i32
  }
  func.func @transform_6(%arg0: i32) -> (i32, i32) {
    %c0_i32 = arith.constant 0 : i32
    %c0_i32_0 = arith.constant 0 : i32
    %c0_i32_1 = arith.constant 0 : i32
    return %c0_i32, %c0_i32_0 : i32, i32
  }
  func.func @transform_7(%arg0: i32) -> (i32, i32) {
    %c0_i32 = arith.constant 0 : i32
    %c0_i32_0 = arith.constant 0 : i32
    %c0_i32_1 = arith.constant 0 : i32
    return %c0_i32, %c0_i32_0 : i32, i32
  }
  func.func @transform_8(%arg0: i32) -> (i32, i32) {
    %c0_i32 = arith.constant 0 : i32
    %c0_i32_0 = arith.constant 0 : i32
    return %arg0, %c0_i32 : i32, i32
  }
  func.func @transform_9(%arg0: i32) -> (i32, i32) {
    %c0_i32 = arith.constant 0 : i32
    %c0_i32_0 = arith.constant 0 : i32
    return %arg0, %c0_i32 : i32, i32
  }
  func.func @transform_10(%arg0: i32) -> (i32, i32) {
    %c0_i32 = arith.constant 0 : i32
    %c0_i32_0 = arith.constant 0 : i32
    return %arg0, %c0_i32 : i32, i32
  }
  func.func @transform_11(%arg0: i32) -> (i32, i32) {
    %c0_i32 = arith.constant 0 : i32
    %c0_i32_0 = arith.constant 0 : i32
    return %arg0, %c0_i32 : i32, i32
  }
  func.func @transform_12(%arg0: i32) -> (i32, i32, i32) {
    %c0_i32 = arith.constant 0 : i32
    %c0_i32_0 = arith.constant 0 : i32
    %c0_i32_1 = arith.constant 0 : i32
    return %c0_i32, %arg0, %c0_i32_0 : i32, i32, i32
  }
  func.func @transform_13(%arg0: i32) -> (i32, i32, i32) {
    %c0_i32 = arith.constant 0 : i32
    %c0_i32_0 = arith.constant 0 : i32
    %c0_i32_1 = arith.constant 0 : i32
    return %c0_i32, %arg0, %c0_i32_0 : i32, i32, i32
  }
  func.func @transform_14(%arg0: i32) -> (i32, i32, i32) {
    %c0_i32 = arith.constant 0 : i32
    %c0_i32_0 = arith.constant 0 : i32
    %c0_i32_1 = arith.constant 0 : i32
    return %c0_i32, %arg0, %c0_i32_0 : i32, i32, i32
  }
  func.func @transform_15(%arg0: i32) -> (i32, i32, i32) {
    %c0_i32 = arith.constant 0 : i32
    %c0_i32_0 = arith.constant 0 : i32
    %c0_i32_1 = arith.constant 0 : i32
    return %c0_i32, %arg0, %c0_i32_0 : i32, i32, i32
  }
}

</mosaic_0001>

<sc_bundles>
// kernel: kernel.4.cloned.1.call-start
scs
__scs_entry_jumppad:
0x0: {  	(pc) =	sbr.rel $0x88, $3  }
0x1: {  	(tag) =	ssettag $0x0;
	lr =	simm.s32 $0x1  }
0x2: {  	[smem:$0x3F97] =	sst lr;
	_ =	strace $0xD0000000  }
0x3: {  	_ = 	snop  }
0x4: {  	_ = 	snop  }
0x5: {  	_ = 	snop  }
0x6: {  	_ = 	snop  }
0x7: {  	_ = 	snop  }
__scs_overlays_trampoline_lowered:
0x8: {  	[smem:$0x3FA6] =	sst s0  }
0x9: {  	[smem:$0x3FA7] =	sst s1  }
0xa: {  	[smem:$0x3FA8] =	sst s2  }
0xb: {  	[smem:$0x3FA9] =	sst s3  }
0xc: {  	[smem:$0x3FAA] =	sst s4  }
0xd: {  	[smem:$0x3FAB] =	sst s5  }
0xe: {  	[smem:$0x3FAC] =	sst s6  }
0xf: {  	[smem:$0x3FAD] =	sst s7  }
0x10: {  	[smem:$0x3FAE] =	sst s8  }
0x11: {  	[smem:$0x3FAF] =	sst s9;
	s0 =	simm.s32 @!p0 $0x0  }
0x12: {  	s1 =	sld [smem:$0x3F95];
	s0 =	simm.s32 @p0 $0x1  }
0x13: {  	[smem:$0x3FB0] =	sst s0;
	s0 =	simm.s32 @!p1 $0x0  }
0x14: {  	s2 =	sld [smem:$0x3F94];
	s0 =	simm.s32 @p1 $0x1  }
0x15: {  	[smem:$0x3FB1] =	sst s0;
	s0 =	simm.s32 @!p2 $0x0  }
0x16: {  	s3 =	sld [smem:$0x3FDB];
	s0 =	simm.s32 @p2 $0x1  }
0x17: {  	s4 =	simm.s32 $0x1BF5;
	[smem:$0x3FB3] =	sst s0  }
0x18: {  	s0 =	sld [smem:$0x3F96];
	_ =	swait.ge [sflag:s4], $0x0  }
0x19: {  	s7 =	sld [smem:$0x3F97]  }
0x1a: {  	s8 =	sadd.s32 $0xFFFFE003, lr  }
0x1b: {  	s9 =	sadd.s32 $0xFFFFFEF7, lr;
	s5 =	simm.s32 $0xFFFFFFFF;
	p2 =	slt.u32 s8, $0xFFFFF086  }
0x1c: {  	p1 =	slt.u32 s9, $0xF7A;
	s5 =	simm.s32 @!p2 $0x0  }
0x1d: {  	s5 =	simm.s32 @p1 $0x1;
	p0 =	seq.s32 s7, s2  }
0x1e: {  	s7 =	smul.u32 @!p0 $0xF7A, s2;
	p2 =	seq.s32 @!p0 s5, $0x0  }
0x1f: {  	s9 =	smul.u32 $0xF7A, s1;
	s8 =	simm.s32 @!p0 $0x1BF5;
	p2 =	por !p2, p0  }
0x20: {  	[sflag:s8] =	ssyncset.s32 @!p0 $0xFFFFF086;
	s6 =	sadd.s32 @!p0 s3, s7;
	s7 =	simm.s32 @!p0 $0x108  }
0x21: {  	s3 =	sadd.s32 s3, s9;
	s6 =	sadd.s32 @!p0 $0x88, s6;
	s7 =	simm.s32 @p2 $0x1082  }
0x22: {  	[simem:s7], [sflag:s8] =	dma.local @!p0 [hbm:s6], $0xF7A  }
0x23: {  	s9 =	sor.u32 $0xD0000000, s2;
	s6 =	simm.s32 $0x108;
	_ =	swait.ge @!p0 [sflag:s8], $0x0  }
0x24: {  	s3 =	sadd.s32 $0x88, s3;
	s6 =	simm.s32 @!p1 $0x1082;
	[sflag:s4] =	ssyncset.s32 $0xFFFFF086  }
0x25: {  	[simem:s6], [sflag:s4] =	dma.local [hbm:s3], $0xF7A  }
0x26: {  	[smem:$0x3F97] =	sst s1;
	(tag) =	ssettag s2;
	_ =	strace s9  }
0x27: {  	s1 =	sld [smem:$0x3FA7]  }
0x28: {  	s2 =	sld [smem:$0x3FA8]  }
0x29: {  	s4 =	sld [smem:$0x3FAA]  }
0x2a: {  	p0 =	seq.s32 s5, $0x0;
	s5 =	sld [smem:$0x3FAB]  }
0x2b: {  	s6 =	sld [smem:$0x3FAC]  }
0x2c: {  	s7 =	sld [smem:$0x3FAD]  }
0x2d: {  	s3 =	simm.s32 $0x108;
	s8 =	sld [smem:$0x3FAE]  }
0x2e: {  	s3 =	simm.s32 @!p0 $0x1082;
	s9 =	sld [smem:$0x3FAF]  }
0x2f: {  	lr =	sadd.s32 s0, s3;
	s0 =	sld [smem:$0x3FA6]  }
0x30: {  	s3 =	sld [smem:$0x3FA9]  }
0x31: {  	[smem:$0x3FB2] =	sst s10  }
0x32: {  	s10 =	sld [smem:$0x3FB0];
	_ =	sdelay $0x3  }
0x33: {  	p0 =	seq.s32 s10, $0x1;
	s10 =	sld [smem:$0x3FB2];
	_ =	sdelay $0x3  }
0x34: {  	[smem:$0x3FB2] =	sst s10  }
0x35: {  	s10 =	sld [smem:$0x3FB1];
	_ =	sdelay $0x3  }
0x36: {  	p1 =	seq.s32 s10, $0x1;
	s10 =	sld [smem:$0x3FB2];
	_ =	sdelay $0x3  }
0x37: {  	[smem:$0x3FB2] =	sst s10  }
0x38: {  	s10 =	sld [smem:$0x3FB3]  }
0x39: {  	_ = 	snop;
	(pc) =	sbr.ind lr, $3  }
0x3a: {  	_ = 	snop  }
0x3b: {  	_ = 	snop  }
0x3c: {  	p2 =	seq.s32 s10, $0x1;
	s10 =	sld [smem:$0x3FB2]  }
0x3d: {  	_ =	shalt  }
0x3e: {  	_ =	shalt  }
0x3f: {  	_ =	shalt  }
0x40: {  	_ =	shalt  }
0x41: {  	_ =	shalt  }
0x42: {  	_ =	shalt  }
0x43: {  	_ =	shalt  }
0x44: {  	_ =	shalt  }
0x45: {  	_ =	shalt  }
0x46: {  	_ =	shalt  }
0x47: {  	_ =	shalt  }
0x48: {  	_ =	shalt  }
0x49: {  	_ =	shalt  }
0x4a: {  	_ =	shalt  }
0x4b: {  	_ =	shalt  }
0x4c: {  	_ =	shalt  }
0x4d: {  	_ =	shalt  }
0x4e: {  	_ =	shalt  }
0x4f: {  	_ =	shalt  }
0x50: {  	_ =	shalt  }
0x51: {  	_ =	shalt  }
0x52: {  	_ =	shalt  }
0x53: {  	_ =	shalt  }
0x54: {  	_ =	shalt  }
0x55: {  	_ =	shalt  }
0x56: {  	_ =	shalt  }
0x57: {  	_ =	shalt  }
0x58: {  	_ =	shalt  }
0x59: {  	_ =	shalt  }
0x5a: {  	_ =	shalt  }
0x5b: {  	_ =	shalt  }
0x5c: {  	_ =	shalt  }
0x5d: {  	_ =	shalt  }
0x5e: {  	_ =	shalt  }
0x5f: {  	_ =	shalt  }
0x60: {  	_ =	shalt  }
0x61: {  	_ =	shalt  }
0x62: {  	_ =	shalt  }
0x63: {  	_ =	shalt  }
0x64: {  	_ =	shalt  }
0x65: {  	_ =	shalt  }
0x66: {  	_ =	shalt  }
0x67: {  	_ =	shalt  }
0x68: {  	_ =	shalt  }
0x69: {  	_ =	shalt  }
0x6a: {  	_ =	shalt  }
0x6b: {  	_ =	shalt  }
0x6c: {  	_ =	shalt  }
0x6d: {  	_ =	shalt  }
0x6e: {  	_ =	shalt  }
0x6f: {  	_ =	shalt  }
0x70: {  	_ =	shalt  }
0x71: {  	_ =	shalt  }
0x72: {  	_ =	shalt  }
0x73: {  	_ =	shalt  }
0x74: {  	_ =	shalt  }
0x75: {  	_ =	shalt  }
0x76: {  	_ =	shalt  }
0x77: {  	_ =	shalt  }
0x78: {  	_ =	shalt  }
0x79: {  	_ =	shalt  }
0x7a: {  	_ =	shalt  }
0x7b: {  	_ =	shalt  }
0x7c: {  	_ =	shalt  }
0x7d: {  	_ =	shalt  }
0x7e: {  	_ =	shalt  }
0x7f: {  	_ =	shalt  }
0x80: {  	_ =	shalt  }
0x81: {  	_ =	shalt  }
0x82: {  	_ =	shalt  }
0x83: {  	_ =	shalt  }
0x84: {  	_ =	shalt  }
0x85: {  	_ =	shalt  }
0x86: {  	_ =	shalt  }
0x87: {  	_ =	shalt  }
.Lfunc_end0:
.L_simem_size_0:
called_computation_lowered:
.L_overlay_start_0:
0x88: {  	s2 =	sld [smem:$0x3FD9]  }
0x89: {  	s3 =	sld [smem:$0x3FFE];
	_ =	sdelay $0x1  }
0x8a: {  	s1 =	srdreg.scid  }
0x8b: {  	s0 =	sand.u32 $0x1, s1  }
0x8c: {  	s14 =	sshll.u32 s0, $0xA;
	s2 =	sadd.s32 s3, s2  }
0x8d: {  	s2 =	sadd.s32 s2, s14  }
0x8e: {  	[smem:$0x3FBE] =	sst s2  }
0x8f: {  	_ = 	snop  }
0x90: {  	s2 =	sld [smem:$0x3FD0];
	_ =	sdelay $0x2  }
0x91: {  	s15 =	simm.s32 $0xA;
	s4 =	simm.s32 $0x10  }
0x92: {  	[smem:s4], [sflag:s15] =	dma.local [hbm:s2], $0x1  }
0x93: {  	_ =	swait.eq [sflag:s15], $0x1  }
0x94: {  	[sflag:s15] =	ssyncset.done $0x0  }
0x95: {  	s16 =	sld [smem:$0x10];
	[sflag:s15] =	ssyncadd.s32 $0xFFFFFFFF  }
0x96: {  	s17 =	sld [smem:$0x11];
	(tm) =	ssettm $0x1  }
0x97: {  	s18 =	sld [smem:$0x3FFB];
	_ =	sdelay $0x3  }
0x98: {  	_ =	strace s18  }
0x99: {  	s4 =	sld [smem:$0x3FFC];
	_ =	sdelay $0x3  }
0x9a: {  	_ =	strace s4  }
0x9b: {  	s4 =	sld [smem:$0x3FFD];
	_ =	sdelay $0x3  }
0x9c: {  	_ =	strace s4  }
0x9d: {  	_ =	strace $0x8FFFFFFF  }
0x9e: {  	s19 =	sld [smem:$0x3FDB];
	_ =	sdelay $0x1  }
0x9f: {  	s5 =	simm.s32 $_scs_section_size  }
0xa0: {  	s6 =	simm.s32 $_size__tile_overlayer_lowered;
	s7 =	simm.s32 $_tile_overlayer_lowered  }
0xa1: {  	s22 =	simm.s32 $0x1BFF;
	s21 =	sshll.u32 s7, $0x1;
	s4 =	sadd.s32 s5, s19  }
0xa2: {  	s8 =	simm.s32 $0x0;
	s20 =	sshll.u32 s6, $0x1;
	s6 =	sadd.s32 s21, s4  }
0xa3: {  	[timem:s8], [sflag:s22] =	dma.local [hbm:s6], s20  }
0xa4: {  	_ =	swait.ge [sflag:s22], s20  }
0xa5: {  	s5 =	ssub.s32 $0x0, s20;
	[sflag:s22] =	ssyncset.done $0x0  }
0xa6: {  	[sflag:s22] =	ssyncadd.s32 s5;
	_ =	sdelay $0x1  }
0xa7: {  	s23 =	simm.s32 $0x1B8B  }
0xa8: {  	_ =	swait.ge [sflag:s23], $0x1  }
0xa9: {  	[sflag:s23] =	ssyncset.done $0x0  }
0xaa: {  	s25 =	simm.s32 $0x1B8E;
	s24 =	sld [smem:$0x3FFE];
	[sflag:s23] =	ssyncadd.s32 $0xFFFFFFFF  }
0xab: {  	s26 =	simm.s32 $execute0_lowered;
	[smem:$0x3FD2] =	sst s25  }
0xac: {  	s6 =	sshll.u32 s26, $0x1;
	_ =	strace $0x80000046;
	[dreg:$0x1] =	wrdreg $0xFFFFFFFF  }
0xad: {  	s28 =	simm.s32 $_size_execute0_lowered;
	s4 =	sadd.s32 s4, s6;
	[dreg:$0x0] =	wrdreg $0x0  }
0xae: {  	s6 =	sshll.u32 s28, $0x1;
	[dreg:$0x2] =	wrdreg s4  }
0xaf: {  	[dreg:$0x3] =	wrdreg s6  }
0xb0: {  	[dreg:$0x4] =	wrdreg $0xC0  }
0xb1: {  	_ =	task [dreg:s8], $0x5FFFF  }
0xb2: {  	[dreg:$0x1] =	wrdreg $0xFFFFFFFF  }
0xb3: {  	[dreg:$0x0] =	wrdreg $0x60  }
0xb4: {  	[dreg:$0x2] =	wrdreg s24  }
0xb5: {  	[dreg:$0x3] =	wrdreg s16  }
0xb6: {  	[dreg:$0x4] =	wrdreg s17  }
0xb7: {  	[dreg:$0x5] =	wrdreg $0xA0000  }
0xb8: {  	[dreg:$0x6] =	wrdreg $0x9  }
0xb9: {  	_ =	task.clear_ibuf [dreg:s8], $0x7FFFF;
	_ =	strace $0x90000046  }
0xba: {  	s29 =	simm.s32 $0x9;
	_ =	strace $0x80000048  }
0xbb: {  	_ =	swait.ge [sflag:s29], $0x1  }
0xbc: {  	[sflag:s29] =	ssyncadd.s32 $0xFFFFFFFF  }
0xbd: {  	_ =	strace $0x90000048  }
0xbe: {  	_ =	sfence  }
0xbf: {  	s30 =	sld [smem:$0x0];
	_ =	sdelay $0x2  }
0xc0: {  	s31 =	sshll.u32 s1, $0xD;
	s1 =	sshrl.u32 s1, $0x2  }
0xc1: {  	s3 =	sand.u32 $0x4000, s31;
	s1 =	sadd.s32 s1, s30  }
0xc2: {  	s0 =	sor.u32 s3, s0;
	s1 =	sshll.u32 s1, $0x11  }
0xc3: {  	s0 =	sor.u32 s1, s0  }
0xc4: {  	s0 =	sadd.s32 $0x8F2B, s0  }
0xc5: {  	[sflag:s0] =	ssyncadd.remote.s32 $0x1  }
0xc6: {  	_ =	sfence.sel $0xFFFF  }
0xc7: {  	[dreg:$0x0] =	wrdreg $0xFFFFFFFF;
	(pc) =	sbr.abs _section_cstart, $3  }
0xc8: {  	[dreg:$0x1] =	wrdreg $0xFFFFFFFF  }
0xc9: {  	_ =	task.clear_ibuf [dreg:s8], $0x2FFFF;
	_ =	strace $0x9FFFFFFF  }
0xca: {  	(tm) =	ssettm $0x7FFFFFFF  }
0xcb: {  	_ =	shalt  }
tec
execute0_lowered:
.L_overlay_start_1:
0x0: {  	(tag) =	ssettag $0x1  }
0x1: {  	s0 =	rddreg [dreg:$0x0]  }
0x2: {  	s1 =	rddreg [dreg:$0x1]  }
0x3: {  	s3 =	rddreg [dreg:$0x2]  }
0x4: {  	s4 =	rddreg [dreg:$0x3]  }
0x5: {  	s2 =	srdreg.scid;
	s17 =	stileid.u32;
	s5 =	simm.s32 $0x0  }
0x6: {  	s28 =	simm.s32 $0x1;
	s29 =	simm.s32 $0x2;
	s30 =	simm.s32 $0x3  }
0x7: {  	s31 =	simm.s32 $0x4;
	s2 =	sand.u32 $0x1, s2;
	s7 =	smul.u32 $0x4E000, s17  }
0x8: {  	[smem:$0x7FF] =	sst s5;
	s6 =	sadd.s32 $0x1000, s0;
	s9 =	smul.u32 $0x2700, s17  }
0x9: {  	s10 =	sadd.s32 $0x4F200, s0;
	s0 =	sadd.s32 $0x9D400, s0;
	s19 =	smul.u32 $0xA0, s17  }
0xa: {  	s16 =	sadd.s32 $0x124800, s4;
	p0 =	seq.s32 s17, $0xF;
	s8 =	smul.u32 $0x27100, s2  }
0xb: {  	_ =	strace $0x80000047;
	s11 =	ssub.s32 $0x2, s2;
	s12 =	smul.u32 $0x138800, s2  }
0xc: {  	s2 =	smul.u32 $0xA00, s2;
	s13 =	sshrl.u32 s11, $0x1;
	s7 =	sshrl.u32 s7, $0x2  }
0xd: {  	s16 =	sshrl.u32 @p0 s16, $0x3;
	s15 =	ssub.s32 s11, s13;
	s7 =	sadd.s32 s7, s4  }
0xe: {  	s8 =	sadd.s32 s9, s8;
	s20 =	sshrl.u32 s12, $0x3;
	s2 =	sadd.s32 s19, s2  }
0xf: {  	s19 =	simm.s32 $0x0;
	s21 =	sadd.s32 s10, s8;
	s14 =	sadd.s32 $0x24900, s20  }
0x10: {  	s2 =	sshll.u32 s2, $0x4;
	s13 =	sadd.s32 s0, s8;
	s15 =	smax.u32 s15, $0x1  }
0x11: {  	s18 =	sshrl.u32 @!p0 s7, $0x3;
	s20 =	simm.s32 $0x5;
	[dreg:$0x6] =	wrdreg s21  }
0x12: {  	s9 =	sadd.s32 s10, s14;
	s22 =	sadd.s32 s1, s2;
	s23 =	sadd.s32 s3, s2  }
0x13: {  	s24 =	sor.u32 $0x100, s2;
	s14 =	sadd.s32 s0, s14;
	[dreg:$0x7] =	wrdreg s9  }
0x14: {  	s26 =	sadd.s32 $0x200, s2;
	s0 =	sshll.u32 @!p0 s17, $0x6;
	[dreg:$0x8] =	wrdreg s22  }
0x15: {  	[dreg:$0x9] =	wrdreg s23;
	s25 =	sadd.s32 s1, s24;
	s12 =	sadd.s32 s3, s24  }
0x16: {  	[dreg:$0x5] =	wrdreg s26;
	s17 =	sor.u32 @!p0 $0x1C06, s0;
	s23 =	simm.s32 $0x7D  }
0x17: {  	s24 =	simm.s32 $0x2000;
	s26 =	simm.s32 $0x6000;
	[dreg:$0xa] =	wrdreg s25  }
.LBB2_1:
0x18: {  	s0 =	simm.s32 @p0 $0x1FC6;
	s2 =	rddreg [dreg:$0x7]  }
0x19: {  	[spmem:s16], [sflag:s0] =	dma.local @p0 [hbm:s2], $0x2800  }
0x1a: {  	s0 =	simm.s32 @p0 $0x6  }
0x1b: {  	_ =	swait.ge @p0 [sflag:s0], $0x2800  }
0x1c: {  	[sflag:s0] =	ssyncset.done @p0 $0x0  }
0x1d: {  	[sflag:s0] =	ssyncadd.s32 @p0 $0xFFFFD800;
	s0 =	rddreg [dreg:$0x6]  }
0x1e: {  	[spmem:s18], [sflag:s17] =	dma.local @!p0 [hbm:s0], $0x2700  }
0x1f: {  	s0 =	simm.s32 @!p0 $0x6  }
0x20: {  	_ =	swait.ge @!p0 [sflag:s0], $0x2700  }
0x21: {  	[sflag:s0] =	ssyncset.done @!p0 $0x0  }
0x22: {  	[sflag:s0] =	ssyncadd.s32 @!p0 $0xFFFFD900  }
0x23: {  	[bflag:$0x0] =	sbarrier.arrive $0xFFFF  }
0x24: {  	s8 =	rddreg [dreg:$0x8]  }
0x25: {  	[tilespmem:s5], [sflag:$0x5] =	stream.linear.gather [hbm4b:s8+s5], $0x800, $0x38;
	[tilespmem:$0x1D880] =	vst v63  }
0x26: {  	s10 =	simm.s32 $0x1000;
	s9 =	rddreg [dreg:$0x9]  }
0x27: {  	[tilespmem:s10], [sflag:$0x5] =	stream.linear.gather [hbm4b:s9+s5], $0x800, $0x38;
	[tilespmem:$0x1D880] =	vst v63  }
0x28: {  	_ =	swait.ge [sflag:s20], $0x800  }
0x29: {  	[sflag:s20] =	ssyncset.done $0x0  }
0x2a: {  	[sflag:s20] =	ssyncadd.s32 $0xFFFFF800  }
0x2b: {  	_ =	swait.ge [sflag:s20], $0x800  }
0x2c: {  	[sflag:s20] =	ssyncset.done $0x0  }
0x2d: {  	s21 =	simm.s32 $0x800;
	s11 =	rddreg [dreg:$0xa];
	[sflag:s20] =	ssyncadd.s32 $0xFFFFF800  }
0x2e: {  	[tilespmem:s21], [sflag:$0x5] =	stream.linear.gather [hbm4b:s11+s5], $0x800, $0x38;
	[tilespmem:$0x1D880] =	vst v63  }
0x2f: {  	s22 =	simm.s32 $0x1800  }
0x30: {  	[tilespmem:s22], [sflag:$0x5] =	stream.linear.gather [hbm4b:s12+s5], $0x800, $0x38;
	[tilespmem:$0x1D880] =	vst v63  }
0x31: {  	_ = 	snop  }
0x32: {  	[tilespmem:s24], [sflag:$0x1] =	stream.indirect.gather [hbm4b:s6+s23], $0x80, s5, s23, $0xb8;
	[tilespmem:$0x1D880] =	vst v63  }
0x33: {  	s25 =	simm.s32 $0x80;
	s2 =	simm.s32 $0x0  }
0x34: {  	[tilespmem:s26], [sflag:$0x2] =	stream.indirect.gather [hbm4b:s6+s23], $0x80, s25, s23, $0xb8;
	[tilespmem:$0x1D880] =	vst v63  }
0x35: {  	s7 =	sand.u32 $0x7, s5;
	s21 =	sand.u32 $0x800, s2;
	_ =	swait.ge [sflag:s28], $0x3E80  }
0x36: {  	s8 =	sshll.u32 s7, $0x8;
	s22 =	sor.u32 $0x1000, s21;
	[sflag:s28] =	ssyncset.done $0x0  }
0x37: {  	s2 =	sor.u32 s8, s22;
	[sflag:s28] =	ssyncadd.s32 $0xFFFFC180  }
0x38: {  	[spmem:s4] =	stream.indirect.scatter.add.f32 [tilespmem:s24], [sflag:$0x3], $0x80, s2, s23, $0xb8;
	[tilespmem:$0x1D880] =	vst v63  }
0x39: {  	_ =	swait.ge [sflag:s29], $0x3E80  }
0x3a: {  	p1 =	sne.s32 s7, $0x7;
	[sflag:s29] =	ssyncset.done $0x0  }
0x3b: {  	s0 =	simm.s32 @!p1 $0x5;
	s2 =	sor.u32 $0x80, s2;
	[sflag:s29] =	ssyncadd.s32 $0xFFFFC180  }
0x3c: {  	[spmem:s4] =	stream.indirect.scatter.add.f32 [tilespmem:s26], [sflag:$0x4], $0x80, s2, s23, $0xb8;
	[tilespmem:$0x1D880] =	vst v63  }
0x3d: {  	_ =	swait.ge @!p1 [sflag:s0], $0x800  }
0x3e: {  	[sflag:s0] =	ssyncset.done @!p1 $0x0  }
0x3f: {  	[sflag:s0] =	ssyncadd.s32 @!p1 $0xFFFFF800  }
0x40: {  	_ =	swait.ge @!p1 [sflag:s0], $0x800  }
0x41: {  	[sflag:s0] =	ssyncset.done @!p1 $0x0  }
0x42: {  	s9 =	simm.s32 $0x400;
	s10 =	simm.s32 $0x100;
	[sflag:s0] =	ssyncadd.s32 @!p1 $0xFFFFF800  }
0x43: {  	s11 =	sand.u32 $0x47, s5;
	s2 =	sand.u32 $0x1C00, s9;
	_ =	swait.ge [sflag:s30], $0x3E80  }
0x44: {  	s2 =	sshrl.u32 s2, $0x2;
	s0 =	sand.u32 $0x800, s10;
	[sflag:s30] =	ssyncset.done $0x0  }
0x45: {  	p2 =	sne.s32 s11, $0x7;
	s7 =	sor.u32 s2, s0;
	[sflag:s30] =	ssyncadd.s32 $0xFFFFC180  }
0x46: {  	[tilespmem:s24], [sflag:$0x1] =	stream.indirect.gather [hbm4b:s6+s23], $0x80, s7, s23, $0xb8;
	[tilespmem:$0x1D880] =	vst v63  }
0x47: {  	s25 =	simm.s32 $0x800;
	s0 =	simm.s32 $0x200;
	_ =	swait.ge [sflag:s31], $0x3E80  }
0x48: {  	s2 =	simm.s32 $0x1;
	s9 =	rddreg [dreg:$0x5];
	[sflag:s31] =	ssyncset.done $0x0  }
0x49: {  	s8 =	sor.u32 $0x80, s7;
	[sflag:s31] =	ssyncadd.s32 $0xFFFFC180;
	s7 =	sadd.s32 @!p2 $0x0, s9  }
.LBB2_2:
0x4a: {  	[tilespmem:s26], [sflag:$0x2] =	stream.indirect.gather [hbm4b:s6+s23], $0x80, s8, s23, $0xb8;
	[tilespmem:$0x1D880] =	vst v63  }
0x4b: {  	s10 =	sadd.s32 @!p2 s1, s7;
	s11 =	simm.s32 @!p2 $0x0  }
0x4c: {  	[tilespmem:s21], [sflag:$0x5] =	stream.linear.gather @!p2 [hbm4b:s10+s11], $0x800, $0x38;
	[tilespmem:$0x1D880] =	vst v63  }
0x4d: {  	s9 =	sshll.u32 s2, $0x8;
	s7 =	sadd.s32 @!p2 s3, s7  }
0x4e: {  	[tilespmem:s22], [sflag:$0x5] =	stream.linear.gather @!p2 [hbm4b:s7+s11], $0x800, $0x38;
	[tilespmem:$0x1D880] =	vst v63  }
0x4f: {  	s21 =	sand.u32 $0x800, s9;
	s10 =	sand.u32 $0x7, s2;
	_ =	swait.ge [sflag:s28], $0x3E80  }
0x50: {  	s22 =	sor.u32 $0x1000, s21;
	s11 =	sshll.u32 s10, $0x8;
	[sflag:s28] =	ssyncset.done $0x0  }
0x51: {  	s9 =	sor.u32 s11, s22;
	[sflag:s28] =	ssyncadd.s32 $0xFFFFC180  }
0x52: {  	[spmem:s4] =	stream.indirect.scatter.add.f32 [tilespmem:s24], [sflag:$0x3], $0x80, s9, s23, $0xb8;
	[tilespmem:$0x1D880] =	vst v63  }
0x53: {  	_ =	swait.ge [sflag:s29], $0x3E80  }
0x54: {  	p2 =	sne.s32 s10, $0x7;
	[sflag:s29] =	ssyncset.done $0x0  }
0x55: {  	s7 =	simm.s32 @!p2 $0x5;
	s9 =	sor.u32 $0x80, s9;
	[sflag:s29] =	ssyncadd.s32 $0xFFFFC180  }
0x56: {  	[spmem:s4] =	stream.indirect.scatter.add.f32 [tilespmem:s26], [sflag:$0x4], $0x80, s9, s23, $0xb8;
	[tilespmem:$0x1D880] =	vst v63  }
0x57: {  	_ =	swait.ge @!p2 [sflag:s7], $0x800  }
0x58: {  	[sflag:s7] =	ssyncset.done @!p2 $0x0  }
0x59: {  	[sflag:s7] =	ssyncadd.s32 @!p2 $0xFFFFF800  }
0x5a: {  	s8 =	smov.u32 s25;
	s25 =	sadd.s32 $0x400, s25;
	_ =	swait.ge @!p2 [sflag:s7], $0x800  }
0x5b: {  	p1 =	sne.s32 s25, $0x14000;
	[sflag:s7] =	ssyncset.done @!p2 $0x0  }
0x5c: {  	s10 =	sand.u32 $0x800, s0;
	s0 =	sadd.s32 $0x100, s0;
	[sflag:s7] =	ssyncadd.s32 @!p2 $0xFFFFF800  }
0x5d: {  	s11 =	sand.u32 $0x47, s2;
	s9 =	sand.u32 $0x1C00, s8;
	_ =	swait.ge [sflag:s30], $0x3E80  }
0x5e: {  	s7 =	sshrl.u32 s9, $0x2;
	p2 =	sne.s32 s11, $0x7;
	[sflag:s30] =	ssyncset.done $0x0  }
.Ltmp0:
0x5f: {  	s7 =	sor.u32 s7, s10;
	[sflag:s30] =	ssyncadd.s32 $0xFFFFC180;
	(pc) =	sbr.rel @p1 .LBB2_2-.Ltmp0, $4  }
0x60: {  	[tilespmem:s24], [sflag:$0x1] =	stream.indirect.gather [hbm4b:s6+s23], $0x80, s7, s23, $0xb8;
	[tilespmem:$0x1D880] =	vst v63  }
0x61: {  	s10 =	sshrl.u32 s2, $0x3;
	s2 =	sadd.s32 $0x1, s2;
	_ =	swait.ge [sflag:s31], $0x3E80  }
0x62: {  	s10 =	sshll.u32 @!p2 s10, $0x8;
	s9 =	rddreg [dreg:$0x5];
	[sflag:s31] =	ssyncset.done $0x0  }
0x63: {  	s8 =	sor.u32 $0x80, s7;
	[sflag:s31] =	ssyncadd.s32 $0xFFFFC180;
	s7 =	sadd.s32 @!p2 s9, s10  }
0x64: {  	[tilespmem:s26], [sflag:$0x2] =	stream.indirect.gather [hbm4b:s6+s23], $0x80, s8, s23, $0xb8;
	[tilespmem:$0x1D880] =	vst v63  }
0x65: {  	s0 =	sadd.s32 @!p2 s1, s7;
	s2 =	simm.s32 @!p2 $0x0  }
0x66: {  	[tilespmem:s21], [sflag:$0x5] =	stream.linear.gather @!p2 [hbm4b:s0+s2], $0x800, $0x38;
	[tilespmem:$0x1D880] =	vst v63  }
0x67: {  	s0 =	sadd.s32 @!p2 s3, s7  }
0x68: {  	[tilespmem:s22], [sflag:$0x5] =	stream.linear.gather @!p2 [hbm4b:s0+s2], $0x800, $0x38;
	[tilespmem:$0x1D880] =	vst v63  }
0x69: {  	_ =	swait.ge [sflag:s28], $0x3E80  }
0x6a: {  	[sflag:s28] =	ssyncset.done $0x0  }
0x6b: {  	s22 =	simm.s32 $0x1F00;
	[sflag:s28] =	ssyncadd.s32 $0xFFFFC180  }
0x6c: {  	[spmem:s4] =	stream.indirect.scatter.add.f32 [tilespmem:s24], [sflag:$0x3], $0x80, s22, s23, $0xb8;
	[tilespmem:$0x1D880] =	vst v63  }
0x6d: {  	_ =	swait.ge [sflag:s29], $0x3E80  }
0x6e: {  	[sflag:s29] =	ssyncset.done $0x0  }
0x6f: {  	s25 =	simm.s32 $0x1F80;
	[sflag:s29] =	ssyncadd.s32 $0xFFFFC180  }
0x70: {  	[spmem:s4] =	stream.indirect.scatter.add.f32 [tilespmem:s26], [sflag:$0x4], $0x80, s25, s23, $0xb8;
	[tilespmem:$0x1D880] =	vst v63  }
0x71: {  	_ =	swait.ge [sflag:s30], $0x3E80  }
0x72: {  	[sflag:s30] =	ssyncset.done $0x0  }
0x73: {  	[sflag:s30] =	ssyncadd.s32 $0xFFFFC180  }
0x74: {  	_ =	swait.ge [sflag:s31], $0x3E80  }
0x75: {  	[sflag:s31] =	ssyncset.done $0x0  }
0x76: {  	[sflag:s31] =	ssyncadd.s32 $0xFFFFC180  }
0x77: {  	s0 =	simm.s32 @p0 $0x1FC6;
	[bflag:$0x0] =	sbarrier.arrive $0xFFFF  }
0x78: {  	[hbm:s14], [sflag:s0] =	dma.local @p0 [spmem:s16], $0x2800  }
0x79: {  	s0 =	simm.s32 @p0 $0x6  }
0x7a: {  	s19 =	sadd.s32 $0x1, s19;
	_ =	swait.ge @p0 [sflag:s0], $0x2800  }
0x7b: {  	p1 =	sne.s32 s19, s15;
	[sflag:s0] =	ssyncset.done @p0 $0x0  }
.Ltmp1:
0x7c: {  	[sflag:s0] =	ssyncadd.s32 @p0 $0xFFFFD800;
	s0 =	simm.s32 @!p0 $0x6;
	(pc) =	sbr.rel @p1 .LBB2_1-.Ltmp1, $4  }
0x7d: {  	[hbm:s13], [sflag:s17] =	dma.local @!p0 [spmem:s18], $0x2700  }
0x7e: {  	_ =	swait.ge @!p0 [sflag:s0], $0x2700  }
0x7f: {  	[sflag:s0] =	ssyncset.done @!p0 $0x0  }
0x80: {  	[sflag:s0] =	ssyncadd.s32 @!p0 $0xFFFFD900  }
0x81: {  	_ =	sfence.sel $0x180000  }
0x82: {  	[bflag:$0x0] =	sbarrier.arrive $0xFFFF  }
0x83: {  	_ =	strace $0x90000047  }
0x84: {  	s0 =	stileid.u32;
	[bflag:$0x2] =	sbarrier.arrive $0xFFFF  }
0x85: {  	p0 =	sne.s32 s0, $0x0;
	s0 =	rddreg [dreg:$0x4]  }
0x86: {  	s0 =	sadd.s32 @!p0 $0x100000, s0  }
0x87: {  	[sflag:s0] =	ssyncadd.tile.s32 @!p0 $0x1;
	_ =	shalt  }
.Lfunc_end2:
_tile_overlayer_lowered:
.L_overlay_start_2:
0x88: {  	(tag) =	ssettag $0x2  }
0x89: {  	s0 =	rddreg [dreg:$0x0];
	s2 =	stileid.u32  }
0x8a: {  	s1 =	rddreg [dreg:$0x1];
	p0 =	sne.s32 s2, $0x0  }
0x8b: {  	s3 =	rddreg [dreg:$0x2];
	[bflag:$0x3] =	sbarrier.arrive $0xFFFF;
	s2 =	simm.s32 @!p0 $0x1C06  }
0x8c: {  	[timem:s3], [sflag:s2] =	dma.local @!p0 [hbm:s0], s1  }
0x8d: {  	s0 =	simm.s32 @!p0 $0x6  }
0x8e: {  	_ =	swait.ge @!p0 [sflag:s0], s1  }
0x8f: {  	s1 =	ssub.s32 @!p0 $0x0, s1;
	[sflag:s0] =	ssyncset.done @!p0 $0x0  }
0x90: {  	[sflag:s0] =	ssyncadd.s32 @!p0 s1  }
0x91: {  	[bflag:$0x3] =	sbarrier.arrive $0xFFFF  }
0x92: {  	_ =	shalt  }

</sc_bundles>
